<compile_context>
chip_gen: v7x
topology: tpu7x:2x2x1
jax: 0.10.2.dev20260603
libtpu: 0.0.44.dev20260713+nightly
codegen_flags: <defaults>
</compile_context>

<pallas_src>
import functools

import jax
import jax.numpy as jnp
from jax import lax
from jax.experimental import pallas as pl
from jax.experimental.pallas import tpu as pltpu
from jax.experimental.pallas import tpu_sc as plsc

N_HOP = 2
N_MEMORY = 32
EMB_DIM = 64
BATCH = 16384
ROWS = N_HOP * BATCH * N_MEMORY
NW = 32
PER_W = ROWS // NW
CHUNK = 512
SUB = 128
N_CHUNK = PER_W // CHUNK

BB = 512


HROWS = ROWS // N_HOP
PAIRS_W = HROWS // 2 // NW
PCHUNK = 256
NSUB = PCHUNK // SUB
NCH = PAIRS_W // PCHUNK


def _sc_gather_body(table_hbm, idx_ev_hbm, idx_od_hbm, out_hbm, idx_ev_v, idx_od_v, rows_v, gsem, asem, wsem):
    wid = lax.axis_index("s") * 2 + lax.axis_index("c")
    base = wid * PAIRS_W
    pltpu.sync_copy(idx_ev_hbm.at[pl.ds(base, PAIRS_W)], idx_ev_v)
    pltpu.sync_copy(idx_od_hbm.at[pl.ds(base, PAIRS_W)], idx_od_v)

    def e_descs(c, buf):
        return [
            pltpu.make_async_copy(
                table_hbm.at[idx_ev_v.at[pl.ds(c * PCHUNK + s * SUB, SUB)]],
                rows_v.at[buf, pl.ds(s * SUB, SUB)],
                gsem,
            )
            for s in range(NSUB)
        ]

    def o_descs(c, buf):
        return [
            pltpu.make_async_copy(
                table_hbm.at[idx_od_v.at[pl.ds(c * PCHUNK + s * SUB, SUB)]],
                rows_v.at[buf, pl.ds(s * SUB, SUB)],
                asem,
            )
            for s in range(NSUB)
        ]

    def w_desc(c, buf):
        return pltpu.make_async_copy(
            rows_v.at[buf],
            out_hbm.at[pl.ds(base + c * PCHUNK, PCHUNK)],
            wsem,
        )

    def start_e(c, buf):
        for d in e_descs(c, buf):
            d.start()

    def start_o(c, buf):
        for d in o_descs(c, buf):
            d.start(add=True)

    def wait_e(c, buf):
        for d in e_descs(c, buf):
            d.wait()

    def wait_o(c, buf):
        for d in o_descs(c, buf):
            d.wait()

    start_e(0, 0)

    def body(i, carry):
        a = 2 * i
        b = a + 1
        wait_e(a, 0)
        start_o(a, 0)

        @pl.when(i > 0)
        def _():
            w_desc(b - 2, 1).wait()

        start_e(b, 1)
        wait_o(a, 0)
        w_desc(a, 0).start()
        wait_e(b, 1)
        start_o(b, 1)
        w_desc(a, 0).wait()

        @pl.when(i < NCH // 2 - 1)
        def _():
            start_e(a + 2, 0)

        wait_o(b, 1)
        w_desc(b, 1).start()
        return carry

    lax.fori_loop(0, NCH // 2, body, 0)
    w_desc(NCH - 1, 1).wait()


def _sc_gather(table_eo, idx_even, idx_odd):
    mesh = plsc.VectorSubcoreMesh(core_axis_name="c", subcore_axis_name="s")
    kern = functools.partial(
        pl.kernel,
        out_type=jax.ShapeDtypeStruct((HROWS // 2, 2 * EMB_DIM), jnp.float32),
        mesh=mesh,
        scratch_types=[
            pltpu.VMEM((PAIRS_W,), jnp.int32),
            pltpu.VMEM((PAIRS_W,), jnp.int32),
            pltpu.VMEM((2, PCHUNK, 2 * EMB_DIM), jnp.float32),
            pltpu.SemaphoreType.DMA,
            pltpu.SemaphoreType.DMA,
            pltpu.SemaphoreType.DMA,
        ],
    )(_sc_gather_body)
    return kern(table_eo, idx_even, idx_odd)


def _hop_math(g, xin, sel):
    M2 = N_MEMORY // 2
    D2 = 2 * EMB_DIM
    p = (g * xin[:, None, :]).reshape(g.shape[0] * M2, D2)
    c_wide = lax.dot_general(
        p, sel, (((1,), (0,)), ((), ())),
        precision=lax.Precision.DEFAULT, preferred_element_type=jnp.float32,
    ).reshape(g.shape[0], M2, D2)
    e = jnp.exp(c_wide)
    es = jnp.sum(e, axis=1)
    st = es[:, :EMB_DIM] + es[:, EMB_DIM:]
    rinv = 1.0 / st
    r2 = jnp.concatenate([rinv, rinv], axis=1)
    t = jnp.sum(g * e, axis=1) * r2
    return t[:, :EMB_DIM] + t[:, EMB_DIM:]


def _hop_body(item_ref, g_ref, sel_ref, out_ref):
    x = item_ref[...]
    x2 = jnp.concatenate([x, x], axis=1)
    out_ref[...] = _hop_math(g_ref[...], x2, sel_ref[...])


def _final_body(i0_ref, g_ref, w_ref, b_ref, sel_ref, out_ref):
    i0 = i0_ref[...]
    i1 = _hop_math(
        g_ref[...], jnp.concatenate([i0, i0], axis=1), sel_ref[...]
    )
    w = w_ref[...]
    out_ref[...] = (
        lax.dot_general(
            i0, w[:EMB_DIM], (((1,), (0,)), ((), ())),
            precision=lax.Precision.HIGHEST, preferred_element_type=jnp.float32,
        )
        + lax.dot_general(
            i1, w[EMB_DIM:], (((1,), (0,)), ((), ())),
            precision=lax.Precision.HIGHEST, preferred_element_type=jnp.float32,
        )
        + b_ref[...]
    )


def _sel_matrix():
    col = jnp.arange(2 * EMB_DIM)[None, :]
    row = jnp.arange(2 * EMB_DIM)[:, None]
    return jnp.where((col < EMB_DIM) == (row < EMB_DIM), 1.0, 0.0).astype(
        jnp.float32
    )


_G_SPEC = lambda: pl.BlockSpec(
    (BB, N_MEMORY // 2, 2 * EMB_DIM), lambda i: (i, 0, 0)
)
_V_SPEC = lambda: pl.BlockSpec((BB, EMB_DIM), lambda i: (i, 0))
_SEL_SPEC = lambda: pl.BlockSpec((2 * EMB_DIM, 2 * EMB_DIM), lambda i: (0, 0))


def _attention_hop(item_embeddings, g):
    batch = item_embeddings.shape[0]
    return pl.pallas_call(
        _hop_body,
        grid=(batch // BB,),
        in_specs=[_V_SPEC(), _G_SPEC(), _SEL_SPEC()],
        out_specs=_V_SPEC(),
        out_shape=jax.ShapeDtypeStruct((batch, EMB_DIM), jnp.float32),
    )(item_embeddings, g, _sel_matrix())


def _attention_final(i0, g, agg_W, agg_b):
    batch = i0.shape[0]
    return pl.pallas_call(
        _final_body,
        grid=(batch // BB,),
        in_specs=[
            _V_SPEC(),
            _G_SPEC(),
            pl.BlockSpec((N_HOP * EMB_DIM, EMB_DIM), lambda i: (0, 0)),
            pl.BlockSpec((1, EMB_DIM), lambda i: (0, 0)),
            _SEL_SPEC(),
        ],
        out_specs=_V_SPEC(),
        out_shape=jax.ShapeDtypeStruct((batch, EMB_DIM), jnp.float32),
    )(i0, g, agg_W, agg_b, _sel_matrix())


def kernel(item_embeddings, neighbors, protein_embedding, agg_W, agg_b):
    idx = neighbors.astype(jnp.int32).reshape(N_HOP, HROWS)
    n_prot = protein_embedding.shape[0]
    zeros = jnp.zeros_like(protein_embedding)
    table_eo = jnp.concatenate(
        [
            jnp.concatenate([protein_embedding, zeros], axis=1),
            jnp.concatenate([zeros, protein_embedding], axis=1),
        ],
        axis=0,
    )
    g_hops = [
        _sc_gather(table_eo, idx[h, 0::2], idx[h, 1::2] + n_prot).reshape(
            BATCH, N_MEMORY // 2, 2 * EMB_DIM
        )
        for h in range(N_HOP)
    ]
    i0 = _attention_hop(item_embeddings, g_hops[0])
    return _attention_final(
        i0, g_hops[1], agg_W, agg_b.reshape(1, EMB_DIM)
    )

# --- scband reference (transcript-rebuilt; emitter-appended) ---
"""Pipeline reference for scband-base-ppihead-2740189135739 (READ-ONLY COPY).

The authoritative reference and input builder live on the scoring server;
editing this copy changes nothing except your own understanding.
"""

import jax, jax.numpy as jnp
import numpy as np

N_HOP = 2
N_MEMORY = 32
BATCH = 16384
PROTEIN_NUM = 100000
EMB_DIM = 64


def setup_inputs(seed: int = 0) -> dict:
    key = jax.random.key(seed)
    k1, k2, k3, k4, k5 = jax.random.split(key, 5)
    item_embeddings = jax.random.normal(k1, (BATCH, EMB_DIM), dtype=jnp.float32)
    neighbors = jax.random.randint(k2, (N_HOP, BATCH, N_MEMORY), 0, PROTEIN_NUM, dtype=jnp.int64)
    protein_embedding = jax.random.normal(k3, (PROTEIN_NUM, EMB_DIM), dtype=jnp.float32) * 0.02
    agg_W = jax.random.normal(k4, (N_HOP * EMB_DIM, EMB_DIM), dtype=jnp.float32) * (1.0 / np.sqrt(N_HOP * EMB_DIM))
    agg_b = jnp.zeros((EMB_DIM,), dtype=jnp.float32)
    return {
        'item_embeddings': item_embeddings,
        'neighbors': neighbors,
        'protein_embedding': protein_embedding,
        'agg_W': agg_W,
        'agg_b': agg_b,
    }


def reference(item_embeddings, neighbors, protein_embedding, agg_W, agg_b):
    # _get_neighbor_emb: embedding gather per hop
    neighbors_emb_list = [jnp.take(protein_embedding, neighbors[hop], axis=0) for hop in range(N_HOP)]
    # _interaction_aggregation
    x = item_embeddings
    interact_list = []
    for hop in range(N_HOP):
        neighbor_emb = neighbors_emb_list[hop]  # [B, M, d]
        x_exp = jnp.expand_dims(x, axis=2)  # [B, d, 1]
        contributions = jnp.squeeze(jnp.matmul(neighbor_emb, x_exp), axis=-1)  # [B, M]
        contributions_normalized = jax.nn.softmax(contributions, axis=1)
        contributions_expanded = jnp.expand_dims(contributions_normalized, axis=2)  # [B, M, 1]
        i = (neighbor_emb * contributions_expanded).sum(axis=1)  # [B, d]
        x = i
        interact_list.append(i)
    # _aggregation
    item_i_concat = jnp.concatenate(interact_list, axis=1)  # [B, n_hop*d]
    item_out = item_i_concat @ agg_W + agg_b  # [B, d]
    return item_out

if __name__ == "__main__":
    import jax
    _d = setup_inputs()
    print(jax.jit(kernel)(*tuple(_d.values())))

</pallas_src>

<mosaic_0001>
#map = affine_map<(d0, d1) -> (0, 0)>
#map1 = affine_map<(d0, d1) -> (0)>
module attributes {stable_mosaic.version = 14 : i64} {
  func.func @_sc_gather_body(%arg0: i32, %arg1: i32, %arg2: memref<200000x128xf32, #tpu.memory_space<hbm>>, %arg3: memref<262144xi32, #tpu.memory_space<hbm>>, %arg4: memref<262144xi32, #tpu.memory_space<hbm>>, %arg5: memref<262144x128xf32, #tpu.memory_space<hbm>>, %arg6: memref<8192xi32, #tpu.memory_space<vmem>>, %arg7: memref<8192xi32, #tpu.memory_space<vmem>>, %arg8: memref<2x256x128xf32, #tpu.memory_space<vmem>>, %arg9: memref<!tpu.dma_semaphore, #tpu.memory_space<semaphore_mem>>, %arg10: memref<!tpu.dma_semaphore, #tpu.memory_space<semaphore_mem>>, %arg11: memref<!tpu.dma_semaphore, #tpu.memory_space<semaphore_mem>>) attributes {dimension_semantics = [#tpu.dimension_semantics<core_parallel>, #tpu.dimension_semantics<subcore_parallel>], iteration_bounds = array<i64: 2, 16>, scalar_prefetch = 0 : i64, scratch_operands = 6 : i64, tpu.core_type = #tpu.core_type<sc_vector_subcore>, window_params = [{transform_indices = #map}, {transform_indices = #map1}, {transform_indices = #map1}, {transform_indices = #map}]} {
    %mul3A = arith.constant 2 : i32
    %mul3A_0 = arith.muli %arg1, %mul3A : i32
    %add3A = arith.addi %mul3A_0, %arg0 : i32
    %mul3A_1 = arith.constant 8192 : i32
    %mul3A_2 = arith.muli %add3A, %mul3A_1 : i32
    "tpu.region"() ({
      %run_scoped3A = tpu.sem_alloc : memref<!tpu.dma_semaphore, #tpu.memory_space<semaphore_mem>>
      %dma_start3A_41 = tpu.memref_slice %arg3[%mul3A_2] : memref<262144xi32, #tpu.memory_space<hbm>> -> memref<8192xi32, #tpu.memory_space<hbm>>
      %dma_start3A_42 = tpu.memref_slice %arg3[%mul3A_2] : memref<262144xi32, #tpu.memory_space<hbm>> -> memref<8192xi32, #tpu.memory_space<hbm>>
      tpu.enqueue_dma source(%dma_start3A_42 : memref<8192xi32, #tpu.memory_space<hbm>>) target(%arg6 : memref<8192xi32, #tpu.memory_space<vmem>>) target_semaphore(%run_scoped3A : memref<!tpu.dma_semaphore, #tpu.memory_space<semaphore_mem>>)
      %dma_wait3A_43 = tpu.memref_slice %arg3[%mul3A_2] : memref<262144xi32, #tpu.memory_space<hbm>> -> memref<8192xi32, #tpu.memory_space<hbm>>
      %dma_wait3A_44 = tpu.memref_slice %arg3[%mul3A_2] : memref<262144xi32, #tpu.memory_space<hbm>> -> memref<8192xi32, #tpu.memory_space<hbm>>
      tpu.wait_dma2 semaphore(%run_scoped3A : memref<!tpu.dma_semaphore, #tpu.memory_space<semaphore_mem>>) src(%dma_wait3A_44 : memref<8192xi32, #tpu.memory_space<hbm>>) dst(%arg6 : memref<8192xi32, #tpu.memory_space<vmem>>)
      tpu.yield
    }) : () -> ()
    "tpu.region"() ({
      %run_scoped3A = tpu.sem_alloc : memref<!tpu.dma_semaphore, #tpu.memory_space<semaphore_mem>>
      %dma_start3A_41 = tpu.memref_slice %arg4[%mul3A_2] : memref<262144xi32, #tpu.memory_space<hbm>> -> memref<8192xi32, #tpu.memory_space<hbm>>
      %dma_start3A_42 = tpu.memref_slice %arg4[%mul3A_2] : memref<262144xi32, #tpu.memory_space<hbm>> -> memref<8192xi32, #tpu.memory_space<hbm>>
      tpu.enqueue_dma source(%dma_start3A_42 : memref<8192xi32, #tpu.memory_space<hbm>>) target(%arg7 : memref<8192xi32, #tpu.memory_space<vmem>>) target_semaphore(%run_scoped3A : memref<!tpu.dma_semaphore, #tpu.memory_space<semaphore_mem>>)
      %dma_wait3A_43 = tpu.memref_slice %arg4[%mul3A_2] : memref<262144xi32, #tpu.memory_space<hbm>> -> memref<8192xi32, #tpu.memory_space<hbm>>
      %dma_wait3A_44 = tpu.memref_slice %arg4[%mul3A_2] : memref<262144xi32, #tpu.memory_space<hbm>> -> memref<8192xi32, #tpu.memory_space<hbm>>
      tpu.wait_dma2 semaphore(%run_scoped3A : memref<!tpu.dma_semaphore, #tpu.memory_space<semaphore_mem>>) src(%dma_wait3A_44 : memref<8192xi32, #tpu.memory_space<hbm>>) dst(%arg7 : memref<8192xi32, #tpu.memory_space<vmem>>)
      tpu.yield
    }) : () -> ()
    %dma_start3A = arith.constant 0 : i32
    %dma_start3A_3 = arith.constant 0 : i32
    %dma_start3A_4 = arith.constant 0 : i32
    %dma_start3A_5 = tpu.memref_slice %arg8[%dma_start3A, %dma_start3A_3, %dma_start3A_4] : memref<2x256x128xf32, #tpu.memory_space<vmem>> -> memref<1x128x128xf32, #tpu.memory_space<vmem>>
    %dma_start3A_6 = tpu.memref_squeeze %dma_start3A_5 : memref<1x128x128xf32, #tpu.memory_space<vmem>> -> memref<128x128xf32, #tpu.memory_space<vmem>>
    %dma_start3A_7 = arith.constant 0 : i32
    %dma_start3A_8 = tpu.memref_slice %arg6[%dma_start3A_7] : memref<8192xi32, #tpu.memory_space<vmem>> -> memref<128xi32, #tpu.memory_space<vmem>>
    %dma_start3A_9 = arith.constant 0 : i32
    %dma_start3A_10 = arith.constant 0 : i32
    %dma_start3A_11 = tpu.memref_slice %arg2[%dma_start3A_9, %dma_start3A_10] : memref<200000x128xf32, #tpu.memory_space<hbm>> -> memref<200000x128xf32, #tpu.memory_space<hbm>>
    tpu.enqueue_indirect_dma source(%dma_start3A_11 : memref<200000x128xf32, #tpu.memory_space<hbm>>) target(%dma_start3A_6 : memref<128x128xf32, #tpu.memory_space<vmem>>) offsets(%dma_start3A_8 : memref<128xi32, #tpu.memory_space<vmem>>) semaphore(%arg9 : memref<!tpu.dma_semaphore, #tpu.memory_space<semaphore_mem>>)
    %dma_start3A_12 = arith.constant 0 : i32
    %dma_start3A_13 = arith.constant 128 : i32
    %dma_start3A_14 = arith.constant 0 : i32
    %dma_start3A_15 = tpu.memref_slice %arg8[%dma_start3A_12, %dma_start3A_13, %dma_start3A_14] : memref<2x256x128xf32, #tpu.memory_space<vmem>> -> memref<1x128x128xf32, #tpu.memory_space<vmem>>
    %dma_start3A_16 = tpu.memref_squeeze %dma_start3A_15 : memref<1x128x128xf32, #tpu.memory_space<vmem>> -> memref<128x128xf32, #tpu.memory_space<vmem>>
    %dma_start3A_17 = arith.constant 128 : i32
    %dma_start3A_18 = tpu.memref_slice %arg6[%dma_start3A_17] : memref<8192xi32, #tpu.memory_space<vmem>> -> memref<128xi32, #tpu.memory_space<vmem>>
    %dma_start3A_19 = arith.constant 0 : i32
    %dma_start3A_20 = arith.constant 0 : i32
    %dma_start3A_21 = tpu.memref_slice %arg2[%dma_start3A_19, %dma_start3A_20] : memref<200000x128xf32, #tpu.memory_space<hbm>> -> memref<200000x128xf32, #tpu.memory_space<hbm>>
    tpu.enqueue_indirect_dma source(%dma_start3A_21 : memref<200000x128xf32, #tpu.memory_space<hbm>>) target(%dma_start3A_16 : memref<128x128xf32, #tpu.memory_space<vmem>>) offsets(%dma_start3A_18 : memref<128xi32, #tpu.memory_space<vmem>>) semaphore(%arg9 : memref<!tpu.dma_semaphore, #tpu.memory_space<semaphore_mem>>)
    %scan3A = arith.constant 0 : i32
    %scan3A_22 = arith.constant 0 : i32
    %scan3A_23 = arith.constant 16 : i32
    %scan3A_24 = arith.addi %scan3A_22, %scan3A_23 : i32
    %scan3A_25 = arith.constant 1 : i32
    scf.for %scan3A_41 = %scan3A_22 to %scan3A_24 step %scan3A_25  : i32 {
      %mul3A_42 = arith.constant 2 : i32
      %mul3A_43 = arith.muli %mul3A_42, %scan3A_41 : i32
      %add3A_44 = arith.constant 1 : i32
      %add3A_45 = arith.addi %mul3A_43, %add3A_44 : i32
      %mul3A_46 = arith.constant 256 : i32
      %mul3A_47 = arith.muli %mul3A_43, %mul3A_46 : i32
      %add3A_48 = arith.constant 0 : i32
      %add3A_49 = arith.addi %mul3A_47, %add3A_48 : i32
      %mul3A_50 = arith.constant 256 : i32
      %mul3A_51 = arith.muli %mul3A_43, %mul3A_50 : i32
      %add3A_52 = arith.constant 128 : i32
      %add3A_53 = arith.addi %mul3A_51, %add3A_52 : i32
      %dma_wait3A_54 = arith.constant 0 : i32
      %dma_wait3A_55 = arith.constant 0 : i32
      %dma_wait3A_56 = arith.constant 0 : i32
      %dma_wait3A_57 = tpu.memref_slice %arg8[%dma_wait3A_54, %dma_wait3A_55, %dma_wait3A_56] : memref<2x256x128xf32, #tpu.memory_space<vmem>> -> memref<1x128x128xf32, #tpu.memory_space<vmem>>
      %dma_wait3A_58 = tpu.memref_squeeze %dma_wait3A_57 : memref<1x128x128xf32, #tpu.memory_space<vmem>> -> memref<128x128xf32, #tpu.memory_space<vmem>>
      %dma_wait3A_59 = tpu.memref_slice %arg6[%add3A_49] : memref<8192xi32, #tpu.memory_space<vmem>> -> memref<128xi32, #tpu.memory_space<vmem>>
      %dma_wait3A_60 = arith.constant 0 : i32
      %dma_wait3A_61 = arith.constant 0 : i32
      %dma_wait3A_62 = tpu.memref_slice %arg2[%dma_wait3A_60, %dma_wait3A_61] : memref<200000x128xf32, #tpu.memory_space<hbm>> -> memref<200000x128xf32, #tpu.memory_space<hbm>>
      tpu.wait_indirect_dma semaphore(%arg9 : memref<!tpu.dma_semaphore, #tpu.memory_space<semaphore_mem>>) src(%dma_wait3A_62 : memref<200000x128xf32, #tpu.memory_space<hbm>>) dst(%dma_wait3A_58 : memref<128x128xf32, #tpu.memory_space<vmem>>)
      %dma_wait3A_63 = arith.constant 0 : i32
      %dma_wait3A_64 = arith.constant 128 : i32
      %dma_wait3A_65 = arith.constant 0 : i32
      %dma_wait3A_66 = tpu.memref_slice %arg8[%dma_wait3A_63, %dma_wait3A_64, %dma_wait3A_65] : memref<2x256x128xf32, #tpu.memory_space<vmem>> -> memref<1x128x128xf32, #tpu.memory_space<vmem>>
      %dma_wait3A_67 = tpu.memref_squeeze %dma_wait3A_66 : memref<1x128x128xf32, #tpu.memory_space<vmem>> -> memref<128x128xf32, #tpu.memory_space<vmem>>
      %dma_wait3A_68 = tpu.memref_slice %arg6[%add3A_53] : memref<8192xi32, #tpu.memory_space<vmem>> -> memref<128xi32, #tpu.memory_space<vmem>>
      %dma_wait3A_69 = arith.constant 0 : i32
      %dma_wait3A_70 = arith.constant 0 : i32
      %dma_wait3A_71 = tpu.memref_slice %arg2[%dma_wait3A_69, %dma_wait3A_70] : memref<200000x128xf32, #tpu.memory_space<hbm>> -> memref<200000x128xf32, #tpu.memory_space<hbm>>
      tpu.wait_indirect_dma semaphore(%arg9 : memref<!tpu.dma_semaphore, #tpu.memory_space<semaphore_mem>>) src(%dma_wait3A_71 : memref<200000x128xf32, #tpu.memory_space<hbm>>) dst(%dma_wait3A_67 : memref<128x128xf32, #tpu.memory_space<vmem>>)
      %mul3A_72 = arith.constant 256 : i32
      %mul3A_73 = arith.muli %mul3A_43, %mul3A_72 : i32
      %add3A_74 = arith.constant 0 : i32
      %add3A_75 = arith.addi %mul3A_73, %add3A_74 : i32
      %mul3A_76 = arith.constant 256 : i32
      %mul3A_77 = arith.muli %mul3A_43, %mul3A_76 : i32
      %add3A_78 = arith.constant 128 : i32
      %add3A_79 = arith.addi %mul3A_77, %add3A_78 : i32
      %dma_start3A_80 = arith.constant 0 : i32
      %dma_start3A_81 = arith.constant 0 : i32
      %dma_start3A_82 = arith.constant 0 : i32
      %dma_start3A_83 = tpu.memref_slice %arg8[%dma_start3A_80, %dma_start3A_81, %dma_start3A_82] : memref<2x256x128xf32, #tpu.memory_space<vmem>> -> memref<1x128x128xf32, #tpu.memory_space<vmem>>
      %dma_start3A_84 = tpu.memref_squeeze %dma_start3A_83 : memref<1x128x128xf32, #tpu.memory_space<vmem>> -> memref<128x128xf32, #tpu.memory_space<vmem>>
      %dma_start3A_85 = tpu.memref_slice %arg7[%add3A_75] : memref<8192xi32, #tpu.memory_space<vmem>> -> memref<128xi32, #tpu.memory_space<vmem>>
      %dma_start3A_86 = arith.constant 0 : i32
      %dma_start3A_87 = arith.constant 0 : i32
      %dma_start3A_88 = tpu.memref_slice %arg2[%dma_start3A_86, %dma_start3A_87] : memref<200000x128xf32, #tpu.memory_space<hbm>> -> memref<200000x128xf32, #tpu.memory_space<hbm>>
      tpu.enqueue_indirect_dma source(%dma_start3A_88 : memref<200000x128xf32, #tpu.memory_space<hbm>>) target(%dma_start3A_84 : memref<128x128xf32, #tpu.memory_space<vmem>>) offsets(%dma_start3A_85 : memref<128xi32, #tpu.memory_space<vmem>>) semaphore(%arg10 : memref<!tpu.dma_semaphore, #tpu.memory_space<semaphore_mem>>) {add = true}
      %dma_start3A_89 = arith.constant 0 : i32
      %dma_start3A_90 = arith.constant 128 : i32
      %dma_start3A_91 = arith.constant 0 : i32
      %dma_start3A_92 = tpu.memref_slice %arg8[%dma_start3A_89, %dma_start3A_90, %dma_start3A_91] : memref<2x256x128xf32, #tpu.memory_space<vmem>> -> memref<1x128x128xf32, #tpu.memory_space<vmem>>
      %dma_start3A_93 = tpu.memref_squeeze %dma_start3A_92 : memref<1x128x128xf32, #tpu.memory_space<vmem>> -> memref<128x128xf32, #tpu.memory_space<vmem>>
      %dma_start3A_94 = tpu.memref_slice %arg7[%add3A_79] : memref<8192xi32, #tpu.memory_space<vmem>> -> memref<128xi32, #tpu.memory_space<vmem>>
      %dma_start3A_95 = arith.constant 0 : i32
      %dma_start3A_96 = arith.constant 0 : i32
      %dma_start3A_97 = tpu.memref_slice %arg2[%dma_start3A_95, %dma_start3A_96] : memref<200000x128xf32, #tpu.memory_space<hbm>> -> memref<200000x128xf32, #tpu.memory_space<hbm>>
      tpu.enqueue_indirect_dma source(%dma_start3A_97 : memref<200000x128xf32, #tpu.memory_space<hbm>>) target(%dma_start3A_93 : memref<128x128xf32, #tpu.memory_space<vmem>>) offsets(%dma_start3A_94 : memref<128xi32, #tpu.memory_space<vmem>>) semaphore(%arg10 : memref<!tpu.dma_semaphore, #tpu.memory_space<semaphore_mem>>) {add = true}
      %gt3A = arith.constant 0 : i32
      %gt3A_98 = arith.cmpi sgt, %scan3A_41, %gt3A : i32
      %convert_element_type3A = arith.extui %gt3A_98 : i1 to i32
      %cond3A = arith.constant 0 : i32
      %cond3A_99 = arith.cmpi ne, %convert_element_type3A, %cond3A : i32
      scf.if %cond3A_99 {
        %sub3A = arith.constant 2 : i32
        %sub3A_282 = arith.subi %add3A_45, %sub3A : i32
        %mul3A_283 = arith.constant 256 : i32
        %mul3A_284 = arith.muli %sub3A_282, %mul3A_283 : i32
        %add3A_285 = arith.addi %mul3A_2, %mul3A_284 : i32
        %dma_wait3A_286 = arith.constant 1 : i32
        %dma_wait3A_287 = arith.constant 0 : i32
        %dma_wait3A_288 = arith.constant 0 : i32
        %dma_wait3A_289 = tpu.memref_slice %arg8[%dma_wait3A_286, %dma_wait3A_287, %dma_wait3A_288] : memref<2x256x128xf32, #tpu.memory_space<vmem>> -> memref<1x256x128xf32, #tpu.memory_space<vmem>>
        %dma_wait3A_290 = tpu.memref_squeeze %dma_wait3A_289 : memref<1x256x128xf32, #tpu.memory_space<vmem>> -> memref<256x128xf32, #tpu.memory_space<vmem>>
        %dma_wait3A_291 = arith.constant 0 : i32
        %dma_wait3A_292 = tpu.memref_slice %arg5[%add3A_285, %dma_wait3A_291] : memref<262144x128xf32, #tpu.memory_space<hbm>> -> memref<256x128xf32, #tpu.memory_space<hbm>>
        %dma_wait3A_293 = arith.constant 0 : i32
        %dma_wait3A_294 = tpu.memref_slice %arg5[%add3A_285, %dma_wait3A_293] : memref<262144x128xf32, #tpu.memory_space<hbm>> -> memref<256x128xf32, #tpu.memory_space<hbm>>
        %dma_wait3A_295 = arith.constant 0 : i32
        %dma_wait3A_296 = arith.constant 0 : i32
        %dma_wait3A_297 = tpu.memref_slice %arg8[%dma_wait3A_286, %dma_wait3A_295, %dma_wait3A_296] : memref<2x256x128xf32, #tpu.memory_space<vmem>> -> memref<1x256x128xf32, #tpu.memory_space<vmem>>
        %dma_wait3A_298 = tpu.memref_squeeze %dma_wait3A_297 : memref<1x256x128xf32, #tpu.memory_space<vmem>> -> memref<256x128xf32, #tpu.memory_space<vmem>>
        tpu.wait_dma2 semaphore(%arg11 : memref<!tpu.dma_semaphore, #tpu.memory_space<semaphore_mem>>) src(%dma_wait3A_298 : memref<256x128xf32, #tpu.memory_space<vmem>>) dst(%dma_wait3A_294 : memref<256x128xf32, #tpu.memory_space<hbm>>)
      } else {
      }
      %mul3A_100 = arith.constant 256 : i32
      %mul3A_101 = arith.muli %add3A_45, %mul3A_100 : i32
      %add3A_102 = arith.constant 0 : i32
      %add3A_103 = arith.addi %mul3A_101, %add3A_102 : i32
      %mul3A_104 = arith.constant 256 : i32
      %mul3A_105 = arith.muli %add3A_45, %mul3A_104 : i32
      %add3A_106 = arith.constant 128 : i32
      %add3A_107 = arith.addi %mul3A_105, %add3A_106 : i32
      %dma_start3A_108 = arith.constant 1 : i32
      %dma_start3A_109 = arith.constant 0 : i32
      %dma_start3A_110 = arith.constant 0 : i32
      %dma_start3A_111 = tpu.memref_slice %arg8[%dma_start3A_108, %dma_start3A_109, %dma_start3A_110] : memref<2x256x128xf32, #tpu.memory_space<vmem>> -> memref<1x128x128xf32, #tpu.memory_space<vmem>>
      %dma_start3A_112 = tpu.memref_squeeze %dma_start3A_111 : memref<1x128x128xf32, #tpu.memory_space<vmem>> -> memref<128x128xf32, #tpu.memory_space<vmem>>
      %dma_start3A_113 = tpu.memref_slice %arg6[%add3A_103] : memref<8192xi32, #tpu.memory_space<vmem>> -> memref<128xi32, #tpu.memory_space<vmem>>
      %dma_start3A_114 = arith.constant 0 : i32
      %dma_start3A_115 = arith.constant 0 : i32
      %dma_start3A_116 = tpu.memref_slice %arg2[%dma_start3A_114, %dma_start3A_115] : memref<200000x128xf32, #tpu.memory_space<hbm>> -> memref<200000x128xf32, #tpu.memory_space<hbm>>
      tpu.enqueue_indirect_dma source(%dma_start3A_116 : memref<200000x128xf32, #tpu.memory_space<hbm>>) target(%dma_start3A_112 : memref<128x128xf32, #tpu.memory_space<vmem>>) offsets(%dma_start3A_113 : memref<128xi32, #tpu.memory_space<vmem>>) semaphore(%arg9 : memref<!tpu.dma_semaphore, #tpu.memory_space<semaphore_mem>>)
      %dma_start3A_117 = arith.constant 1 : i32
      %dma_start3A_118 = arith.constant 128 : i32
      %dma_start3A_119 = arith.constant 0 : i32
      %dma_start3A_120 = tpu.memref_slice %arg8[%dma_start3A_117, %dma_start3A_118, %dma_start3A_119] : memref<2x256x128xf32, #tpu.memory_space<vmem>> -> memref<1x128x128xf32, #tpu.memory_space<vmem>>
      %dma_start3A_121 = tpu.memref_squeeze %dma_start3A_120 : memref<1x128x128xf32, #tpu.memory_space<vmem>> -> memref<128x128xf32, #tpu.memory_space<vmem>>
      %dma_start3A_122 = tpu.memref_slice %arg6[%add3A_107] : memref<8192xi32, #tpu.memory_space<vmem>> -> memref<128xi32, #tpu.memory_space<vmem>>
      %dma_start3A_123 = arith.constant 0 : i32
      %dma_start3A_124 = arith.constant 0 : i32
      %dma_start3A_125 = tpu.memref_slice %arg2[%dma_start3A_123, %dma_start3A_124] : memref<200000x128xf32, #tpu.memory_space<hbm>> -> memref<200000x128xf32, #tpu.memory_space<hbm>>
      tpu.enqueue_indirect_dma source(%dma_start3A_125 : memref<200000x128xf32, #tpu.memory_space<hbm>>) target(%dma_start3A_121 : memref<128x128xf32, #tpu.memory_space<vmem>>) offsets(%dma_start3A_122 : memref<128xi32, #tpu.memory_space<vmem>>) semaphore(%arg9 : memref<!tpu.dma_semaphore, #tpu.memory_space<semaphore_mem>>)
      %mul3A_126 = arith.constant 256 : i32
      %mul3A_127 = arith.muli %mul3A_43, %mul3A_126 : i32
      %add3A_128 = arith.constant 0 : i32
      %add3A_129 = arith.addi %mul3A_127, %add3A_128 : i32
      %mul3A_130 = arith.constant 256 : i32
      %mul3A_131 = arith.muli %mul3A_43, %mul3A_130 : i32
      %add3A_132 = arith.constant 128 : i32
      %add3A_133 = arith.addi %mul3A_131, %add3A_132 : i32
      %dma_wait3A_134 = arith.constant 0 : i32
      %dma_wait3A_135 = arith.constant 0 : i32
      %dma_wait3A_136 = arith.constant 0 : i32
      %dma_wait3A_137 = tpu.memref_slice %arg8[%dma_wait3A_134, %dma_wait3A_135, %dma_wait3A_136] : memref<2x256x128xf32, #tpu.memory_space<vmem>> -> memref<1x128x128xf32, #tpu.memory_space<vmem>>
      %dma_wait3A_138 = tpu.memref_squeeze %dma_wait3A_137 : memref<1x128x128xf32, #tpu.memory_space<vmem>> -> memref<128x128xf32, #tpu.memory_space<vmem>>
      %dma_wait3A_139 = tpu.memref_slice %arg7[%add3A_129] : memref<8192xi32, #tpu.memory_space<vmem>> -> memref<128xi32, #tpu.memory_space<vmem>>
      %dma_wait3A_140 = arith.constant 0 : i32
      %dma_wait3A_141 = arith.constant 0 : i32
      %dma_wait3A_142 = tpu.memref_slice %arg2[%dma_wait3A_140, %dma_wait3A_141] : memref<200000x128xf32, #tpu.memory_space<hbm>> -> memref<200000x128xf32, #tpu.memory_space<hbm>>
      tpu.wait_indirect_dma semaphore(%arg10 : memref<!tpu.dma_semaphore, #tpu.memory_space<semaphore_mem>>) src(%dma_wait3A_142 : memref<200000x128xf32, #tpu.memory_space<hbm>>) dst(%dma_wait3A_138 : memref<128x128xf32, #tpu.memory_space<vmem>>)
      %dma_wait3A_143 = arith.constant 0 : i32
      %dma_wait3A_144 = arith.constant 128 : i32
      %dma_wait3A_145 = arith.constant 0 : i32
      %dma_wait3A_146 = tpu.memref_slice %arg8[%dma_wait3A_143, %dma_wait3A_144, %dma_wait3A_145] : memref<2x256x128xf32, #tpu.memory_space<vmem>> -> memref<1x128x128xf32, #tpu.memory_space<vmem>>
      %dma_wait3A_147 = tpu.memref_squeeze %dma_wait3A_146 : memref<1x128x128xf32, #tpu.memory_space<vmem>> -> memref<128x128xf32, #tpu.memory_space<vmem>>
      %dma_wait3A_148 = tpu.memref_slice %arg7[%add3A_133] : memref<8192xi32, #tpu.memory_space<vmem>> -> memref<128xi32, #tpu.memory_space<vmem>>
      %dma_wait3A_149 = arith.constant 0 : i32
      %dma_wait3A_150 = arith.constant 0 : i32
      %dma_wait3A_151 = tpu.memref_slice %arg2[%dma_wait3A_149, %dma_wait3A_150] : memref<200000x128xf32, #tpu.memory_space<hbm>> -> memref<200000x128xf32, #tpu.memory_space<hbm>>
      tpu.wait_indirect_dma semaphore(%arg10 : memref<!tpu.dma_semaphore, #tpu.memory_space<semaphore_mem>>) src(%dma_wait3A_151 : memref<200000x128xf32, #tpu.memory_space<hbm>>) dst(%dma_wait3A_147 : memref<128x128xf32, #tpu.memory_space<vmem>>)
      %mul3A_152 = arith.constant 256 : i32
      %mul3A_153 = arith.muli %mul3A_43, %mul3A_152 : i32
      %add3A_154 = arith.addi %mul3A_2, %mul3A_153 : i32
      %dma_start3A_155 = arith.constant 0 : i32
      %dma_start3A_156 = arith.constant 0 : i32
      %dma_start3A_157 = arith.constant 0 : i32
      %dma_start3A_158 = tpu.memref_slice %arg8[%dma_start3A_155, %dma_start3A_156, %dma_start3A_157] : memref<2x256x128xf32, #tpu.memory_space<vmem>> -> memref<1x256x128xf32, #tpu.memory_space<vmem>>
      %dma_start3A_159 = tpu.memref_squeeze %dma_start3A_158 : memref<1x256x128xf32, #tpu.memory_space<vmem>> -> memref<256x128xf32, #tpu.memory_space<vmem>>
      %dma_start3A_160 = arith.constant 0 : i32
      %dma_start3A_161 = tpu.memref_slice %arg5[%add3A_154, %dma_start3A_160] : memref<262144x128xf32, #tpu.memory_space<hbm>> -> memref<256x128xf32, #tpu.memory_space<hbm>>
      %dma_start3A_162 = arith.constant 0 : i32
      %dma_start3A_163 = tpu.memref_slice %arg5[%add3A_154, %dma_start3A_162] : memref<262144x128xf32, #tpu.memory_space<hbm>> -> memref<256x128xf32, #tpu.memory_space<hbm>>
      %dma_start3A_164 = arith.constant 0 : i32
      %dma_start3A_165 = arith.constant 0 : i32
      %dma_start3A_166 = tpu.memref_slice %arg8[%dma_start3A_155, %dma_start3A_164, %dma_start3A_165] : memref<2x256x128xf32, #tpu.memory_space<vmem>> -> memref<1x256x128xf32, #tpu.memory_space<vmem>>
      %dma_start3A_167 = tpu.memref_squeeze %dma_start3A_166 : memref<1x256x128xf32, #tpu.memory_space<vmem>> -> memref<256x128xf32, #tpu.memory_space<vmem>>
      tpu.enqueue_dma source(%dma_start3A_167 : memref<256x128xf32, #tpu.memory_space<vmem>>) target(%dma_start3A_163 : memref<256x128xf32, #tpu.memory_space<hbm>>) target_semaphore(%arg11 : memref<!tpu.dma_semaphore, #tpu.memory_space<semaphore_mem>>)
      %mul3A_168 = arith.constant 256 : i32
      %mul3A_169 = arith.muli %add3A_45, %mul3A_168 : i32
      %add3A_170 = arith.constant 0 : i32
      %add3A_171 = arith.addi %mul3A_169, %add3A_170 : i32
      %mul3A_172 = arith.constant 256 : i32
      %mul3A_173 = arith.muli %add3A_45, %mul3A_172 : i32
      %add3A_174 = arith.constant 128 : i32
      %add3A_175 = arith.addi %mul3A_173, %add3A_174 : i32
      %dma_wait3A_176 = arith.constant 1 : i32
      %dma_wait3A_177 = arith.constant 0 : i32
      %dma_wait3A_178 = arith.constant 0 : i32
      %dma_wait3A_179 = tpu.memref_slice %arg8[%dma_wait3A_176, %dma_wait3A_177, %dma_wait3A_178] : memref<2x256x128xf32, #tpu.memory_space<vmem>> -> memref<1x128x128xf32, #tpu.memory_space<vmem>>
      %dma_wait3A_180 = tpu.memref_squeeze %dma_wait3A_179 : memref<1x128x128xf32, #tpu.memory_space<vmem>> -> memref<128x128xf32, #tpu.memory_space<vmem>>
      %dma_wait3A_181 = tpu.memref_slice %arg6[%add3A_171] : memref<8192xi32, #tpu.memory_space<vmem>> -> memref<128xi32, #tpu.memory_space<vmem>>
      %dma_wait3A_182 = arith.constant 0 : i32
      %dma_wait3A_183 = arith.constant 0 : i32
      %dma_wait3A_184 = tpu.memref_slice %arg2[%dma_wait3A_182, %dma_wait3A_183] : memref<200000x128xf32, #tpu.memory_space<hbm>> -> memref<200000x128xf32, #tpu.memory_space<hbm>>
      tpu.wait_indirect_dma semaphore(%arg9 : memref<!tpu.dma_semaphore, #tpu.memory_space<semaphore_mem>>) src(%dma_wait3A_184 : memref<200000x128xf32, #tpu.memory_space<hbm>>) dst(%dma_wait3A_180 : memref<128x128xf32, #tpu.memory_space<vmem>>)
      %dma_wait3A_185 = arith.constant 1 : i32
      %dma_wait3A_186 = arith.constant 128 : i32
      %dma_wait3A_187 = arith.constant 0 : i32
      %dma_wait3A_188 = tpu.memref_slice %arg8[%dma_wait3A_185, %dma_wait3A_186, %dma_wait3A_187] : memref<2x256x128xf32, #tpu.memory_space<vmem>> -> memref<1x128x128xf32, #tpu.memory_space<vmem>>
      %dma_wait3A_189 = tpu.memref_squeeze %dma_wait3A_188 : memref<1x128x128xf32, #tpu.memory_space<vmem>> -> memref<128x128xf32, #tpu.memory_space<vmem>>
      %dma_wait3A_190 = tpu.memref_slice %arg6[%add3A_175] : memref<8192xi32, #tpu.memory_space<vmem>> -> memref<128xi32, #tpu.memory_space<vmem>>
      %dma_wait3A_191 = arith.constant 0 : i32
      %dma_wait3A_192 = arith.constant 0 : i32
      %dma_wait3A_193 = tpu.memref_slice %arg2[%dma_wait3A_191, %dma_wait3A_192] : memref<200000x128xf32, #tpu.memory_space<hbm>> -> memref<200000x128xf32, #tpu.memory_space<hbm>>
      tpu.wait_indirect_dma semaphore(%arg9 : memref<!tpu.dma_semaphore, #tpu.memory_space<semaphore_mem>>) src(%dma_wait3A_193 : memref<200000x128xf32, #tpu.memory_space<hbm>>) dst(%dma_wait3A_189 : memref<128x128xf32, #tpu.memory_space<vmem>>)
      %mul3A_194 = arith.constant 256 : i32
      %mul3A_195 = arith.muli %add3A_45, %mul3A_194 : i32
      %add3A_196 = arith.constant 0 : i32
      %add3A_197 = arith.addi %mul3A_195, %add3A_196 : i32
      %mul3A_198 = arith.constant 256 : i32
      %mul3A_199 = arith.muli %add3A_45, %mul3A_198 : i32
      %add3A_200 = arith.constant 128 : i32
      %add3A_201 = arith.addi %mul3A_199, %add3A_200 : i32
      %dma_start3A_202 = arith.constant 1 : i32
      %dma_start3A_203 = arith.constant 0 : i32
      %dma_start3A_204 = arith.constant 0 : i32
      %dma_start3A_205 = tpu.memref_slice %arg8[%dma_start3A_202, %dma_start3A_203, %dma_start3A_204] : memref<2x256x128xf32, #tpu.memory_space<vmem>> -> memref<1x128x128xf32, #tpu.memory_space<vmem>>
      %dma_start3A_206 = tpu.memref_squeeze %dma_start3A_205 : memref<1x128x128xf32, #tpu.memory_space<vmem>> -> memref<128x128xf32, #tpu.memory_space<vmem>>
      %dma_start3A_207 = tpu.memref_slice %arg7[%add3A_197] : memref<8192xi32, #tpu.memory_space<vmem>> -> memref<128xi32, #tpu.memory_space<vmem>>
      %dma_start3A_208 = arith.constant 0 : i32
      %dma_start3A_209 = arith.constant 0 : i32
      %dma_start3A_210 = tpu.memref_slice %arg2[%dma_start3A_208, %dma_start3A_209] : memref<200000x128xf32, #tpu.memory_space<hbm>> -> memref<200000x128xf32, #tpu.memory_space<hbm>>
      tpu.enqueue_indirect_dma source(%dma_start3A_210 : memref<200000x128xf32, #tpu.memory_space<hbm>>) target(%dma_start3A_206 : memref<128x128xf32, #tpu.memory_space<vmem>>) offsets(%dma_start3A_207 : memref<128xi32, #tpu.memory_space<vmem>>) semaphore(%arg10 : memref<!tpu.dma_semaphore, #tpu.memory_space<semaphore_mem>>) {add = true}
      %dma_start3A_211 = arith.constant 1 : i32
      %dma_start3A_212 = arith.constant 128 : i32
      %dma_start3A_213 = arith.constant 0 : i32
      %dma_start3A_214 = tpu.memref_slice %arg8[%dma_start3A_211, %dma_start3A_212, %dma_start3A_213] : memref<2x256x128xf32, #tpu.memory_space<vmem>> -> memref<1x128x128xf32, #tpu.memory_space<vmem>>
      %dma_start3A_215 = tpu.memref_squeeze %dma_start3A_214 : memref<1x128x128xf32, #tpu.memory_space<vmem>> -> memref<128x128xf32, #tpu.memory_space<vmem>>
      %dma_start3A_216 = tpu.memref_slice %arg7[%add3A_201] : memref<8192xi32, #tpu.memory_space<vmem>> -> memref<128xi32, #tpu.memory_space<vmem>>
      %dma_start3A_217 = arith.constant 0 : i32
      %dma_start3A_218 = arith.constant 0 : i32
      %dma_start3A_219 = tpu.memref_slice %arg2[%dma_start3A_217, %dma_start3A_218] : memref<200000x128xf32, #tpu.memory_space<hbm>> -> memref<200000x128xf32, #tpu.memory_space<hbm>>
      tpu.enqueue_indirect_dma source(%dma_start3A_219 : memref<200000x128xf32, #tpu.memory_space<hbm>>) target(%dma_start3A_215 : memref<128x128xf32, #tpu.memory_space<vmem>>) offsets(%dma_start3A_216 : memref<128xi32, #tpu.memory_space<vmem>>) semaphore(%arg10 : memref<!tpu.dma_semaphore, #tpu.memory_space<semaphore_mem>>) {add = true}
      %mul3A_220 = arith.constant 256 : i32
      %mul3A_221 = arith.muli %mul3A_43, %mul3A_220 : i32
      %add3A_222 = arith.addi %mul3A_2, %mul3A_221 : i32
      %dma_wait3A_223 = arith.constant 0 : i32
      %dma_wait3A_224 = arith.constant 0 : i32
      %dma_wait3A_225 = arith.constant 0 : i32
      %dma_wait3A_226 = tpu.memref_slice %arg8[%dma_wait3A_223, %dma_wait3A_224, %dma_wait3A_225] : memref<2x256x128xf32, #tpu.memory_space<vmem>> -> memref<1x256x128xf32, #tpu.memory_space<vmem>>
      %dma_wait3A_227 = tpu.memref_squeeze %dma_wait3A_226 : memref<1x256x128xf32, #tpu.memory_space<vmem>> -> memref<256x128xf32, #tpu.memory_space<vmem>>
      %dma_wait3A_228 = arith.constant 0 : i32
      %dma_wait3A_229 = tpu.memref_slice %arg5[%add3A_222, %dma_wait3A_228] : memref<262144x128xf32, #tpu.memory_space<hbm>> -> memref<256x128xf32, #tpu.memory_space<hbm>>
      %dma_wait3A_230 = arith.constant 0 : i32
      %dma_wait3A_231 = tpu.memref_slice %arg5[%add3A_222, %dma_wait3A_230] : memref<262144x128xf32, #tpu.memory_space<hbm>> -> memref<256x128xf32, #tpu.memory_space<hbm>>
      %dma_wait3A_232 = arith.constant 0 : i32
      %dma_wait3A_233 = arith.constant 0 : i32
      %dma_wait3A_234 = tpu.memref_slice %arg8[%dma_wait3A_223, %dma_wait3A_232, %dma_wait3A_233] : memref<2x256x128xf32, #tpu.memory_space<vmem>> -> memref<1x256x128xf32, #tpu.memory_space<vmem>>
      %dma_wait3A_235 = tpu.memref_squeeze %dma_wait3A_234 : memref<1x256x128xf32, #tpu.memory_space<vmem>> -> memref<256x128xf32, #tpu.memory_space<vmem>>
      tpu.wait_dma2 semaphore(%arg11 : memref<!tpu.dma_semaphore, #tpu.memory_space<semaphore_mem>>) src(%dma_wait3A_235 : memref<256x128xf32, #tpu.memory_space<vmem>>) dst(%dma_wait3A_231 : memref<256x128xf32, #tpu.memory_space<hbm>>)
      %lt3A = arith.constant 15 : i32
      %lt3A_236 = arith.cmpi slt, %scan3A_41, %lt3A : i32
      %convert_element_type3A_237 = arith.extui %lt3A_236 : i1 to i32
      %cond3A_238 = arith.constant 0 : i32
      %cond3A_239 = arith.cmpi ne, %convert_element_type3A_237, %cond3A_238 : i32
      scf.if %cond3A_239 {
        %add3A_282 = arith.constant 2 : i32
        %add3A_283 = arith.addi %mul3A_43, %add3A_282 : i32
        %mul3A_284 = arith.constant 256 : i32
        %mul3A_285 = arith.muli %add3A_283, %mul3A_284 : i32
        %add3A_286 = arith.constant 0 : i32
        %add3A_287 = arith.addi %mul3A_285, %add3A_286 : i32
        %mul3A_288 = arith.constant 256 : i32
        %mul3A_289 = arith.muli %add3A_283, %mul3A_288 : i32
        %add3A_290 = arith.constant 128 : i32
        %add3A_291 = arith.addi %mul3A_289, %add3A_290 : i32
        %dma_start3A_292 = arith.constant 0 : i32
        %dma_start3A_293 = arith.constant 0 : i32
        %dma_start3A_294 = arith.constant 0 : i32
        %dma_start3A_295 = tpu.memref_slice %arg8[%dma_start3A_292, %dma_start3A_293, %dma_start3A_294] : memref<2x256x128xf32, #tpu.memory_space<vmem>> -> memref<1x128x128xf32, #tpu.memory_space<vmem>>
        %dma_start3A_296 = tpu.memref_squeeze %dma_start3A_295 : memref<1x128x128xf32, #tpu.memory_space<vmem>> -> memref<128x128xf32, #tpu.memory_space<vmem>>
        %dma_start3A_297 = tpu.memref_slice %arg6[%add3A_287] : memref<8192xi32, #tpu.memory_space<vmem>> -> memref<128xi32, #tpu.memory_space<vmem>>
        %dma_start3A_298 = arith.constant 0 : i32
        %dma_start3A_299 = arith.constant 0 : i32
        %dma_start3A_300 = tpu.memref_slice %arg2[%dma_start3A_298, %dma_start3A_299] : memref<200000x128xf32, #tpu.memory_space<hbm>> -> memref<200000x128xf32, #tpu.memory_space<hbm>>
        tpu.enqueue_indirect_dma source(%dma_start3A_300 : memref<200000x128xf32, #tpu.memory_space<hbm>>) target(%dma_start3A_296 : memref<128x128xf32, #tpu.memory_space<vmem>>) offsets(%dma_start3A_297 : memref<128xi32, #tpu.memory_space<vmem>>) semaphore(%arg9 : memref<!tpu.dma_semaphore, #tpu.memory_space<semaphore_mem>>)
        %dma_start3A_301 = arith.constant 0 : i32
        %dma_start3A_302 = arith.constant 128 : i32
        %dma_start3A_303 = arith.constant 0 : i32
        %dma_start3A_304 = tpu.memref_slice %arg8[%dma_start3A_301, %dma_start3A_302, %dma_start3A_303] : memref<2x256x128xf32, #tpu.memory_space<vmem>> -> memref<1x128x128xf32, #tpu.memory_space<vmem>>
        %dma_start3A_305 = tpu.memref_squeeze %dma_start3A_304 : memref<1x128x128xf32, #tpu.memory_space<vmem>> -> memref<128x128xf32, #tpu.memory_space<vmem>>
        %dma_start3A_306 = tpu.memref_slice %arg6[%add3A_291] : memref<8192xi32, #tpu.memory_space<vmem>> -> memref<128xi32, #tpu.memory_space<vmem>>
        %dma_start3A_307 = arith.constant 0 : i32
        %dma_start3A_308 = arith.constant 0 : i32
        %dma_start3A_309 = tpu.memref_slice %arg2[%dma_start3A_307, %dma_start3A_308] : memref<200000x128xf32, #tpu.memory_space<hbm>> -> memref<200000x128xf32, #tpu.memory_space<hbm>>
        tpu.enqueue_indirect_dma source(%dma_start3A_309 : memref<200000x128xf32, #tpu.memory_space<hbm>>) target(%dma_start3A_305 : memref<128x128xf32, #tpu.memory_space<vmem>>) offsets(%dma_start3A_306 : memref<128xi32, #tpu.memory_space<vmem>>) semaphore(%arg9 : memref<!tpu.dma_semaphore, #tpu.memory_space<semaphore_mem>>)
      } else {
      }
      %mul3A_240 = arith.constant 256 : i32
      %mul3A_241 = arith.muli %add3A_45, %mul3A_240 : i32
      %add3A_242 = arith.constant 0 : i32
      %add3A_243 = arith.addi %mul3A_241, %add3A_242 : i32
      %mul3A_244 = arith.constant 256 : i32
      %mul3A_245 = arith.muli %add3A_45, %mul3A_244 : i32
      %add3A_246 = arith.constant 128 : i32
      %add3A_247 = arith.addi %mul3A_245, %add3A_246 : i32
      %dma_wait3A_248 = arith.constant 1 : i32
      %dma_wait3A_249 = arith.constant 0 : i32
      %dma_wait3A_250 = arith.constant 0 : i32
      %dma_wait3A_251 = tpu.memref_slice %arg8[%dma_wait3A_248, %dma_wait3A_249, %dma_wait3A_250] : memref<2x256x128xf32, #tpu.memory_space<vmem>> -> memref<1x128x128xf32, #tpu.memory_space<vmem>>
      %dma_wait3A_252 = tpu.memref_squeeze %dma_wait3A_251 : memref<1x128x128xf32, #tpu.memory_space<vmem>> -> memref<128x128xf32, #tpu.memory_space<vmem>>
      %dma_wait3A_253 = tpu.memref_slice %arg7[%add3A_243] : memref<8192xi32, #tpu.memory_space<vmem>> -> memref<128xi32, #tpu.memory_space<vmem>>
      %dma_wait3A_254 = arith.constant 0 : i32
      %dma_wait3A_255 = arith.constant 0 : i32
      %dma_wait3A_256 = tpu.memref_slice %arg2[%dma_wait3A_254, %dma_wait3A_255] : memref<200000x128xf32, #tpu.memory_space<hbm>> -> memref<200000x128xf32, #tpu.memory_space<hbm>>
      tpu.wait_indirect_dma semaphore(%arg10 : memref<!tpu.dma_semaphore, #tpu.memory_space<semaphore_mem>>) src(%dma_wait3A_256 : memref<200000x128xf32, #tpu.memory_space<hbm>>) dst(%dma_wait3A_252 : memref<128x128xf32, #tpu.memory_space<vmem>>)
      %dma_wait3A_257 = arith.constant 1 : i32
      %dma_wait3A_258 = arith.constant 128 : i32
      %dma_wait3A_259 = arith.constant 0 : i32
      %dma_wait3A_260 = tpu.memref_slice %arg8[%dma_wait3A_257, %dma_wait3A_258, %dma_wait3A_259] : memref<2x256x128xf32, #tpu.memory_space<vmem>> -> memref<1x128x128xf32, #tpu.memory_space<vmem>>
      %dma_wait3A_261 = tpu.memref_squeeze %dma_wait3A_260 : memref<1x128x128xf32, #tpu.memory_space<vmem>> -> memref<128x128xf32, #tpu.memory_space<vmem>>
      %dma_wait3A_262 = tpu.memref_slice %arg7[%add3A_247] : memref<8192xi32, #tpu.memory_space<vmem>> -> memref<128xi32, #tpu.memory_space<vmem>>
      %dma_wait3A_263 = arith.constant 0 : i32
      %dma_wait3A_264 = arith.constant 0 : i32
      %dma_wait3A_265 = tpu.memref_slice %arg2[%dma_wait3A_263, %dma_wait3A_264] : memref<200000x128xf32, #tpu.memory_space<hbm>> -> memref<200000x128xf32, #tpu.memory_space<hbm>>
      tpu.wait_indirect_dma semaphore(%arg10 : memref<!tpu.dma_semaphore, #tpu.memory_space<semaphore_mem>>) src(%dma_wait3A_265 : memref<200000x128xf32, #tpu.memory_space<hbm>>) dst(%dma_wait3A_261 : memref<128x128xf32, #tpu.memory_space<vmem>>)
      %mul3A_266 = arith.constant 256 : i32
      %mul3A_267 = arith.muli %add3A_45, %mul3A_266 : i32
      %add3A_268 = arith.addi %mul3A_2, %mul3A_267 : i32
      %dma_start3A_269 = arith.constant 1 : i32
      %dma_start3A_270 = arith.constant 0 : i32
      %dma_start3A_271 = arith.constant 0 : i32
      %dma_start3A_272 = tpu.memref_slice %arg8[%dma_start3A_269, %dma_start3A_270, %dma_start3A_271] : memref<2x256x128xf32, #tpu.memory_space<vmem>> -> memref<1x256x128xf32, #tpu.memory_space<vmem>>
      %dma_start3A_273 = tpu.memref_squeeze %dma_start3A_272 : memref<1x256x128xf32, #tpu.memory_space<vmem>> -> memref<256x128xf32, #tpu.memory_space<vmem>>
      %dma_start3A_274 = arith.constant 0 : i32
      %dma_start3A_275 = tpu.memref_slice %arg5[%add3A_268, %dma_start3A_274] : memref<262144x128xf32, #tpu.memory_space<hbm>> -> memref<256x128xf32, #tpu.memory_space<hbm>>
      %dma_start3A_276 = arith.constant 0 : i32
      %dma_start3A_277 = tpu.memref_slice %arg5[%add3A_268, %dma_start3A_276] : memref<262144x128xf32, #tpu.memory_space<hbm>> -> memref<256x128xf32, #tpu.memory_space<hbm>>
      %dma_start3A_278 = arith.constant 0 : i32
      %dma_start3A_279 = arith.constant 0 : i32
      %dma_start3A_280 = tpu.memref_slice %arg8[%dma_start3A_269, %dma_start3A_278, %dma_start3A_279] : memref<2x256x128xf32, #tpu.memory_space<vmem>> -> memref<1x256x128xf32, #tpu.memory_space<vmem>>
      %dma_start3A_281 = tpu.memref_squeeze %dma_start3A_280 : memref<1x256x128xf32, #tpu.memory_space<vmem>> -> memref<256x128xf32, #tpu.memory_space<vmem>>
      tpu.enqueue_dma source(%dma_start3A_281 : memref<256x128xf32, #tpu.memory_space<vmem>>) target(%dma_start3A_277 : memref<256x128xf32, #tpu.memory_space<hbm>>) target_semaphore(%arg11 : memref<!tpu.dma_semaphore, #tpu.memory_space<semaphore_mem>>)
    }
    %scan3A_26 = arith.constant 16 : i32
    %add3A_27 = arith.constant 7936 : i32
    %add3A_28 = arith.addi %mul3A_2, %add3A_27 : i32
    %dma_wait3A = arith.constant 1 : i32
    %dma_wait3A_29 = arith.constant 0 : i32
    %dma_wait3A_30 = arith.constant 0 : i32
    %dma_wait3A_31 = tpu.memref_slice %arg8[%dma_wait3A, %dma_wait3A_29, %dma_wait3A_30] : memref<2x256x128xf32, #tpu.memory_space<vmem>> -> memref<1x256x128xf32, #tpu.memory_space<vmem>>
    %dma_wait3A_32 = tpu.memref_squeeze %dma_wait3A_31 : memref<1x256x128xf32, #tpu.memory_space<vmem>> -> memref<256x128xf32, #tpu.memory_space<vmem>>
    %dma_wait3A_33 = arith.constant 0 : i32
    %dma_wait3A_34 = tpu.memref_slice %arg5[%add3A_28, %dma_wait3A_33] : memref<262144x128xf32, #tpu.memory_space<hbm>> -> memref<256x128xf32, #tpu.memory_space<hbm>>
    %dma_wait3A_35 = arith.constant 0 : i32
    %dma_wait3A_36 = tpu.memref_slice %arg5[%add3A_28, %dma_wait3A_35] : memref<262144x128xf32, #tpu.memory_space<hbm>> -> memref<256x128xf32, #tpu.memory_space<hbm>>
    %dma_wait3A_37 = arith.constant 0 : i32
    %dma_wait3A_38 = arith.constant 0 : i32
    %dma_wait3A_39 = tpu.memref_slice %arg8[%dma_wait3A, %dma_wait3A_37, %dma_wait3A_38] : memref<2x256x128xf32, #tpu.memory_space<vmem>> -> memref<1x256x128xf32, #tpu.memory_space<vmem>>
    %dma_wait3A_40 = tpu.memref_squeeze %dma_wait3A_39 : memref<1x256x128xf32, #tpu.memory_space<vmem>> -> memref<256x128xf32, #tpu.memory_space<vmem>>
    tpu.wait_dma2 semaphore(%arg11 : memref<!tpu.dma_semaphore, #tpu.memory_space<semaphore_mem>>) src(%dma_wait3A_40 : memref<256x128xf32, #tpu.memory_space<vmem>>) dst(%dma_wait3A_36 : memref<256x128xf32, #tpu.memory_space<hbm>>)
    return
  }
}

#map = affine_map<(d0, d1) -> (0, 0)>
#map1 = affine_map<(d0, d1) -> (0)>
module attributes {stable_mosaic.version = 14 : i64} {
  func.func @_sc_gather_body(%arg0: i32, %arg1: i32, %arg2: memref<200000x128xf32, #tpu.memory_space<hbm>>, %arg3: memref<262144xi32, #tpu.memory_space<hbm>>, %arg4: memref<262144xi32, #tpu.memory_space<hbm>>, %arg5: memref<262144x128xf32, #tpu.memory_space<hbm>>, %arg6: memref<8192xi32, #tpu.memory_space<vmem>>, %arg7: memref<8192xi32, #tpu.memory_space<vmem>>, %arg8: memref<2x256x128xf32, #tpu.memory_space<vmem>>, %arg9: memref<!tpu.dma_semaphore, #tpu.memory_space<semaphore_mem>>, %arg10: memref<!tpu.dma_semaphore, #tpu.memory_space<semaphore_mem>>, %arg11: memref<!tpu.dma_semaphore, #tpu.memory_space<semaphore_mem>>) attributes {dimension_semantics = [#tpu.dimension_semantics<core_parallel>, #tpu.dimension_semantics<subcore_parallel>], iteration_bounds = array<i64: 2, 16>, scalar_prefetch = 0 : i64, scratch_operands = 6 : i64, tpu.core_type = #tpu.core_type<sc_vector_subcore>, window_params = [{transform_indices = #map}, {transform_indices = #map1}, {transform_indices = #map1}, {transform_indices = #map}]} {
    %mul3A = arith.constant 2 : i32
    %mul3A_0 = arith.muli %arg1, %mul3A : i32
    %add3A = arith.addi %mul3A_0, %arg0 : i32
    %mul3A_1 = arith.constant 8192 : i32
    %mul3A_2 = arith.muli %add3A, %mul3A_1 : i32
    "tpu.region"() ({
      %run_scoped3A = tpu.sem_alloc : memref<!tpu.dma_semaphore, #tpu.memory_space<semaphore_mem>>
      %dma_start3A_41 = tpu.memref_slice %arg3[%mul3A_2] : memref<262144xi32, #tpu.memory_space<hbm>> -> memref<8192xi32, #tpu.memory_space<hbm>>
      %dma_start3A_42 = tpu.memref_slice %arg3[%mul3A_2] : memref<262144xi32, #tpu.memory_space<hbm>> -> memref<8192xi32, #tpu.memory_space<hbm>>
      tpu.enqueue_dma source(%dma_start3A_42 : memref<8192xi32, #tpu.memory_space<hbm>>) target(%arg6 : memref<8192xi32, #tpu.memory_space<vmem>>) target_semaphore(%run_scoped3A : memref<!tpu.dma_semaphore, #tpu.memory_space<semaphore_mem>>)
      %dma_wait3A_43 = tpu.memref_slice %arg3[%mul3A_2] : memref<262144xi32, #tpu.memory_space<hbm>> -> memref<8192xi32, #tpu.memory_space<hbm>>
      %dma_wait3A_44 = tpu.memref_slice %arg3[%mul3A_2] : memref<262144xi32, #tpu.memory_space<hbm>> -> memref<8192xi32, #tpu.memory_space<hbm>>
      tpu.wait_dma2 semaphore(%run_scoped3A : memref<!tpu.dma_semaphore, #tpu.memory_space<semaphore_mem>>) src(%dma_wait3A_44 : memref<8192xi32, #tpu.memory_space<hbm>>) dst(%arg6 : memref<8192xi32, #tpu.memory_space<vmem>>)
      tpu.yield
    }) : () -> ()
    "tpu.region"() ({
      %run_scoped3A = tpu.sem_alloc : memref<!tpu.dma_semaphore, #tpu.memory_space<semaphore_mem>>
      %dma_start3A_41 = tpu.memref_slice %arg4[%mul3A_2] : memref<262144xi32, #tpu.memory_space<hbm>> -> memref<8192xi32, #tpu.memory_space<hbm>>
      %dma_start3A_42 = tpu.memref_slice %arg4[%mul3A_2] : memref<262144xi32, #tpu.memory_space<hbm>> -> memref<8192xi32, #tpu.memory_space<hbm>>
      tpu.enqueue_dma source(%dma_start3A_42 : memref<8192xi32, #tpu.memory_space<hbm>>) target(%arg7 : memref<8192xi32, #tpu.memory_space<vmem>>) target_semaphore(%run_scoped3A : memref<!tpu.dma_semaphore, #tpu.memory_space<semaphore_mem>>)
      %dma_wait3A_43 = tpu.memref_slice %arg4[%mul3A_2] : memref<262144xi32, #tpu.memory_space<hbm>> -> memref<8192xi32, #tpu.memory_space<hbm>>
      %dma_wait3A_44 = tpu.memref_slice %arg4[%mul3A_2] : memref<262144xi32, #tpu.memory_space<hbm>> -> memref<8192xi32, #tpu.memory_space<hbm>>
      tpu.wait_dma2 semaphore(%run_scoped3A : memref<!tpu.dma_semaphore, #tpu.memory_space<semaphore_mem>>) src(%dma_wait3A_44 : memref<8192xi32, #tpu.memory_space<hbm>>) dst(%arg7 : memref<8192xi32, #tpu.memory_space<vmem>>)
      tpu.yield
    }) : () -> ()
    %dma_start3A = arith.constant 0 : i32
    %dma_start3A_3 = arith.constant 0 : i32
    %dma_start3A_4 = arith.constant 0 : i32
    %dma_start3A_5 = tpu.memref_slice %arg8[%dma_start3A, %dma_start3A_3, %dma_start3A_4] : memref<2x256x128xf32, #tpu.memory_space<vmem>> -> memref<1x128x128xf32, #tpu.memory_space<vmem>>
    %dma_start3A_6 = tpu.memref_squeeze %dma_start3A_5 : memref<1x128x128xf32, #tpu.memory_space<vmem>> -> memref<128x128xf32, #tpu.memory_space<vmem>>
    %dma_start3A_7 = arith.constant 0 : i32
    %dma_start3A_8 = tpu.memref_slice %arg6[%dma_start3A_7] : memref<8192xi32, #tpu.memory_space<vmem>> -> memref<128xi32, #tpu.memory_space<vmem>>
    %dma_start3A_9 = arith.constant 0 : i32
    %dma_start3A_10 = arith.constant 0 : i32
    %dma_start3A_11 = tpu.memref_slice %arg2[%dma_start3A_9, %dma_start3A_10] : memref<200000x128xf32, #tpu.memory_space<hbm>> -> memref<200000x128xf32, #tpu.memory_space<hbm>>
    tpu.enqueue_indirect_dma source(%dma_start3A_11 : memref<200000x128xf32, #tpu.memory_space<hbm>>) target(%dma_start3A_6 : memref<128x128xf32, #tpu.memory_space<vmem>>) offsets(%dma_start3A_8 : memref<128xi32, #tpu.memory_space<vmem>>) semaphore(%arg9 : memref<!tpu.dma_semaphore, #tpu.memory_space<semaphore_mem>>)
    %dma_start3A_12 = arith.constant 0 : i32
    %dma_start3A_13 = arith.constant 128 : i32
    %dma_start3A_14 = arith.constant 0 : i32
    %dma_start3A_15 = tpu.memref_slice %arg8[%dma_start3A_12, %dma_start3A_13, %dma_start3A_14] : memref<2x256x128xf32, #tpu.memory_space<vmem>> -> memref<1x128x128xf32, #tpu.memory_space<vmem>>
    %dma_start3A_16 = tpu.memref_squeeze %dma_start3A_15 : memref<1x128x128xf32, #tpu.memory_space<vmem>> -> memref<128x128xf32, #tpu.memory_space<vmem>>
    %dma_start3A_17 = arith.constant 128 : i32
    %dma_start3A_18 = tpu.memref_slice %arg6[%dma_start3A_17] : memref<8192xi32, #tpu.memory_space<vmem>> -> memref<128xi32, #tpu.memory_space<vmem>>
    %dma_start3A_19 = arith.constant 0 : i32
    %dma_start3A_20 = arith.constant 0 : i32
    %dma_start3A_21 = tpu.memref_slice %arg2[%dma_start3A_19, %dma_start3A_20] : memref<200000x128xf32, #tpu.memory_space<hbm>> -> memref<200000x128xf32, #tpu.memory_space<hbm>>
    tpu.enqueue_indirect_dma source(%dma_start3A_21 : memref<200000x128xf32, #tpu.memory_space<hbm>>) target(%dma_start3A_16 : memref<128x128xf32, #tpu.memory_space<vmem>>) offsets(%dma_start3A_18 : memref<128xi32, #tpu.memory_space<vmem>>) semaphore(%arg9 : memref<!tpu.dma_semaphore, #tpu.memory_space<semaphore_mem>>)
    %scan3A = arith.constant 0 : i32
    %scan3A_22 = arith.constant 0 : i32
    %scan3A_23 = arith.constant 16 : i32
    %scan3A_24 = arith.addi %scan3A_22, %scan3A_23 : i32
    %scan3A_25 = arith.constant 1 : i32
    scf.for %scan3A_41 = %scan3A_22 to %scan3A_24 step %scan3A_25  : i32 {
      %mul3A_42 = arith.constant 2 : i32
      %mul3A_43 = arith.muli %mul3A_42, %scan3A_41 : i32
      %add3A_44 = arith.constant 1 : i32
      %add3A_45 = arith.addi %mul3A_43, %add3A_44 : i32
      %mul3A_46 = arith.constant 256 : i32
      %mul3A_47 = arith.muli %mul3A_43, %mul3A_46 : i32
      %add3A_48 = arith.constant 0 : i32
      %add3A_49 = arith.addi %mul3A_47, %add3A_48 : i32
      %mul3A_50 = arith.constant 256 : i32
      %mul3A_51 = arith.muli %mul3A_43, %mul3A_50 : i32
      %add3A_52 = arith.constant 128 : i32
      %add3A_53 = arith.addi %mul3A_51, %add3A_52 : i32
      %dma_wait3A_54 = arith.constant 0 : i32
      %dma_wait3A_55 = arith.constant 0 : i32
      %dma_wait3A_56 = arith.constant 0 : i32
      %dma_wait3A_57 = tpu.memref_slice %arg8[%dma_wait3A_54, %dma_wait3A_55, %dma_wait3A_56] : memref<2x256x128xf32, #tpu.memory_space<vmem>> -> memref<1x128x128xf32, #tpu.memory_space<vmem>>
      %dma_wait3A_58 = tpu.memref_squeeze %dma_wait3A_57 : memref<1x128x128xf32, #tpu.memory_space<vmem>> -> memref<128x128xf32, #tpu.memory_space<vmem>>
      %dma_wait3A_59 = tpu.memref_slice %arg6[%add3A_49] : memref<8192xi32, #tpu.memory_space<vmem>> -> memref<128xi32, #tpu.memory_space<vmem>>
      %dma_wait3A_60 = arith.constant 0 : i32
      %dma_wait3A_61 = arith.constant 0 : i32
      %dma_wait3A_62 = tpu.memref_slice %arg2[%dma_wait3A_60, %dma_wait3A_61] : memref<200000x128xf32, #tpu.memory_space<hbm>> -> memref<200000x128xf32, #tpu.memory_space<hbm>>
      tpu.wait_indirect_dma semaphore(%arg9 : memref<!tpu.dma_semaphore, #tpu.memory_space<semaphore_mem>>) src(%dma_wait3A_62 : memref<200000x128xf32, #tpu.memory_space<hbm>>) dst(%dma_wait3A_58 : memref<128x128xf32, #tpu.memory_space<vmem>>)
      %dma_wait3A_63 = arith.constant 0 : i32
      %dma_wait3A_64 = arith.constant 128 : i32
      %dma_wait3A_65 = arith.constant 0 : i32
      %dma_wait3A_66 = tpu.memref_slice %arg8[%dma_wait3A_63, %dma_wait3A_64, %dma_wait3A_65] : memref<2x256x128xf32, #tpu.memory_space<vmem>> -> memref<1x128x128xf32, #tpu.memory_space<vmem>>
      %dma_wait3A_67 = tpu.memref_squeeze %dma_wait3A_66 : memref<1x128x128xf32, #tpu.memory_space<vmem>> -> memref<128x128xf32, #tpu.memory_space<vmem>>
      %dma_wait3A_68 = tpu.memref_slice %arg6[%add3A_53] : memref<8192xi32, #tpu.memory_space<vmem>> -> memref<128xi32, #tpu.memory_space<vmem>>
      %dma_wait3A_69 = arith.constant 0 : i32
      %dma_wait3A_70 = arith.constant 0 : i32
      %dma_wait3A_71 = tpu.memref_slice %arg2[%dma_wait3A_69, %dma_wait3A_70] : memref<200000x128xf32, #tpu.memory_space<hbm>> -> memref<200000x128xf32, #tpu.memory_space<hbm>>
      tpu.wait_indirect_dma semaphore(%arg9 : memref<!tpu.dma_semaphore, #tpu.memory_space<semaphore_mem>>) src(%dma_wait3A_71 : memref<200000x128xf32, #tpu.memory_space<hbm>>) dst(%dma_wait3A_67 : memref<128x128xf32, #tpu.memory_space<vmem>>)
      %mul3A_72 = arith.constant 256 : i32
      %mul3A_73 = arith.muli %mul3A_43, %mul3A_72 : i32
      %add3A_74 = arith.constant 0 : i32
      %add3A_75 = arith.addi %mul3A_73, %add3A_74 : i32
      %mul3A_76 = arith.constant 256 : i32
      %mul3A_77 = arith.muli %mul3A_43, %mul3A_76 : i32
      %add3A_78 = arith.constant 128 : i32
      %add3A_79 = arith.addi %mul3A_77, %add3A_78 : i32
      %dma_start3A_80 = arith.constant 0 : i32
      %dma_start3A_81 = arith.constant 0 : i32
      %dma_start3A_82 = arith.constant 0 : i32
      %dma_start3A_83 = tpu.memref_slice %arg8[%dma_start3A_80, %dma_start3A_81, %dma_start3A_82] : memref<2x256x128xf32, #tpu.memory_space<vmem>> -> memref<1x128x128xf32, #tpu.memory_space<vmem>>
      %dma_start3A_84 = tpu.memref_squeeze %dma_start3A_83 : memref<1x128x128xf32, #tpu.memory_space<vmem>> -> memref<128x128xf32, #tpu.memory_space<vmem>>
      %dma_start3A_85 = tpu.memref_slice %arg7[%add3A_75] : memref<8192xi32, #tpu.memory_space<vmem>> -> memref<128xi32, #tpu.memory_space<vmem>>
      %dma_start3A_86 = arith.constant 0 : i32
      %dma_start3A_87 = arith.constant 0 : i32
      %dma_start3A_88 = tpu.memref_slice %arg2[%dma_start3A_86, %dma_start3A_87] : memref<200000x128xf32, #tpu.memory_space<hbm>> -> memref<200000x128xf32, #tpu.memory_space<hbm>>
      tpu.enqueue_indirect_dma source(%dma_start3A_88 : memref<200000x128xf32, #tpu.memory_space<hbm>>) target(%dma_start3A_84 : memref<128x128xf32, #tpu.memory_space<vmem>>) offsets(%dma_start3A_85 : memref<128xi32, #tpu.memory_space<vmem>>) semaphore(%arg10 : memref<!tpu.dma_semaphore, #tpu.memory_space<semaphore_mem>>) {add = true}
      %dma_start3A_89 = arith.constant 0 : i32
      %dma_start3A_90 = arith.constant 128 : i32
      %dma_start3A_91 = arith.constant 0 : i32
      %dma_start3A_92 = tpu.memref_slice %arg8[%dma_start3A_89, %dma_start3A_90, %dma_start3A_91] : memref<2x256x128xf32, #tpu.memory_space<vmem>> -> memref<1x128x128xf32, #tpu.memory_space<vmem>>
      %dma_start3A_93 = tpu.memref_squeeze %dma_start3A_92 : memref<1x128x128xf32, #tpu.memory_space<vmem>> -> memref<128x128xf32, #tpu.memory_space<vmem>>
      %dma_start3A_94 = tpu.memref_slice %arg7[%add3A_79] : memref<8192xi32, #tpu.memory_space<vmem>> -> memref<128xi32, #tpu.memory_space<vmem>>
      %dma_start3A_95 = arith.constant 0 : i32
      %dma_start3A_96 = arith.constant 0 : i32
      %dma_start3A_97 = tpu.memref_slice %arg2[%dma_start3A_95, %dma_start3A_96] : memref<200000x128xf32, #tpu.memory_space<hbm>> -> memref<200000x128xf32, #tpu.memory_space<hbm>>
      tpu.enqueue_indirect_dma source(%dma_start3A_97 : memref<200000x128xf32, #tpu.memory_space<hbm>>) target(%dma_start3A_93 : memref<128x128xf32, #tpu.memory_space<vmem>>) offsets(%dma_start3A_94 : memref<128xi32, #tpu.memory_space<vmem>>) semaphore(%arg10 : memref<!tpu.dma_semaphore, #tpu.memory_space<semaphore_mem>>) {add = true}
      %gt3A = arith.constant 0 : i32
      %gt3A_98 = arith.cmpi sgt, %scan3A_41, %gt3A : i32
      %convert_element_type3A = arith.extui %gt3A_98 : i1 to i32
      %cond3A = arith.constant 0 : i32
      %cond3A_99 = arith.cmpi ne, %convert_element_type3A, %cond3A : i32
      scf.if %cond3A_99 {
        %sub3A = arith.constant 2 : i32
        %sub3A_282 = arith.subi %add3A_45, %sub3A : i32
        %mul3A_283 = arith.constant 256 : i32
        %mul3A_284 = arith.muli %sub3A_282, %mul3A_283 : i32
        %add3A_285 = arith.addi %mul3A_2, %mul3A_284 : i32
        %dma_wait3A_286 = arith.constant 1 : i32
        %dma_wait3A_287 = arith.constant 0 : i32
        %dma_wait3A_288 = arith.constant 0 : i32
        %dma_wait3A_289 = tpu.memref_slice %arg8[%dma_wait3A_286, %dma_wait3A_287, %dma_wait3A_288] : memref<2x256x128xf32, #tpu.memory_space<vmem>> -> memref<1x256x128xf32, #tpu.memory_space<vmem>>
        %dma_wait3A_290 = tpu.memref_squeeze %dma_wait3A_289 : memref<1x256x128xf32, #tpu.memory_space<vmem>> -> memref<256x128xf32, #tpu.memory_space<vmem>>
        %dma_wait3A_291 = arith.constant 0 : i32
        %dma_wait3A_292 = tpu.memref_slice %arg5[%add3A_285, %dma_wait3A_291] : memref<262144x128xf32, #tpu.memory_space<hbm>> -> memref<256x128xf32, #tpu.memory_space<hbm>>
        %dma_wait3A_293 = arith.constant 0 : i32
        %dma_wait3A_294 = tpu.memref_slice %arg5[%add3A_285, %dma_wait3A_293] : memref<262144x128xf32, #tpu.memory_space<hbm>> -> memref<256x128xf32, #tpu.memory_space<hbm>>
        %dma_wait3A_295 = arith.constant 0 : i32
        %dma_wait3A_296 = arith.constant 0 : i32
        %dma_wait3A_297 = tpu.memref_slice %arg8[%dma_wait3A_286, %dma_wait3A_295, %dma_wait3A_296] : memref<2x256x128xf32, #tpu.memory_space<vmem>> -> memref<1x256x128xf32, #tpu.memory_space<vmem>>
        %dma_wait3A_298 = tpu.memref_squeeze %dma_wait3A_297 : memref<1x256x128xf32, #tpu.memory_space<vmem>> -> memref<256x128xf32, #tpu.memory_space<vmem>>
        tpu.wait_dma2 semaphore(%arg11 : memref<!tpu.dma_semaphore, #tpu.memory_space<semaphore_mem>>) src(%dma_wait3A_298 : memref<256x128xf32, #tpu.memory_space<vmem>>) dst(%dma_wait3A_294 : memref<256x128xf32, #tpu.memory_space<hbm>>)
      } else {
      }
      %mul3A_100 = arith.constant 256 : i32
      %mul3A_101 = arith.muli %add3A_45, %mul3A_100 : i32
      %add3A_102 = arith.constant 0 : i32
      %add3A_103 = arith.addi %mul3A_101, %add3A_102 : i32
      %mul3A_104 = arith.constant 256 : i32
      %mul3A_105 = arith.muli %add3A_45, %mul3A_104 : i32
      %add3A_106 = arith.constant 128 : i32
      %add3A_107 = arith.addi %mul3A_105, %add3A_106 : i32
      %dma_start3A_108 = arith.constant 1 : i32
      %dma_start3A_109 = arith.constant 0 : i32
      %dma_start3A_110 = arith.constant 0 : i32
      %dma_start3A_111 = tpu.memref_slice %arg8[%dma_start3A_108, %dma_start3A_109, %dma_start3A_110] : memref<2x256x128xf32, #tpu.memory_space<vmem>> -> memref<1x128x128xf32, #tpu.memory_space<vmem>>
      %dma_start3A_112 = tpu.memref_squeeze %dma_start3A_111 : memref<1x128x128xf32, #tpu.memory_space<vmem>> -> memref<128x128xf32, #tpu.memory_space<vmem>>
      %dma_start3A_113 = tpu.memref_slice %arg6[%add3A_103] : memref<8192xi32, #tpu.memory_space<vmem>> -> memref<128xi32, #tpu.memory_space<vmem>>
      %dma_start3A_114 = arith.constant 0 : i32
      %dma_start3A_115 = arith.constant 0 : i32
      %dma_start3A_116 = tpu.memref_slice %arg2[%dma_start3A_114, %dma_start3A_115] : memref<200000x128xf32, #tpu.memory_space<hbm>> -> memref<200000x128xf32, #tpu.memory_space<hbm>>
      tpu.enqueue_indirect_dma source(%dma_start3A_116 : memref<200000x128xf32, #tpu.memory_space<hbm>>) target(%dma_start3A_112 : memref<128x128xf32, #tpu.memory_space<vmem>>) offsets(%dma_start3A_113 : memref<128xi32, #tpu.memory_space<vmem>>) semaphore(%arg9 : memref<!tpu.dma_semaphore, #tpu.memory_space<semaphore_mem>>)
      %dma_start3A_117 = arith.constant 1 : i32
      %dma_start3A_118 = arith.constant 128 : i32
      %dma_start3A_119 = arith.constant 0 : i32
      %dma_start3A_120 = tpu.memref_slice %arg8[%dma_start3A_117, %dma_start3A_118, %dma_start3A_119] : memref<2x256x128xf32, #tpu.memory_space<vmem>> -> memref<1x128x128xf32, #tpu.memory_space<vmem>>
      %dma_start3A_121 = tpu.memref_squeeze %dma_start3A_120 : memref<1x128x128xf32, #tpu.memory_space<vmem>> -> memref<128x128xf32, #tpu.memory_space<vmem>>
      %dma_start3A_122 = tpu.memref_slice %arg6[%add3A_107] : memref<8192xi32, #tpu.memory_space<vmem>> -> memref<128xi32, #tpu.memory_space<vmem>>
      %dma_start3A_123 = arith.constant 0 : i32
      %dma_start3A_124 = arith.constant 0 : i32
      %dma_start3A_125 = tpu.memref_slice %arg2[%dma_start3A_123, %dma_start3A_124] : memref<200000x128xf32, #tpu.memory_space<hbm>> -> memref<200000x128xf32, #tpu.memory_space<hbm>>
      tpu.enqueue_indirect_dma source(%dma_start3A_125 : memref<200000x128xf32, #tpu.memory_space<hbm>>) target(%dma_start3A_121 : memref<128x128xf32, #tpu.memory_space<vmem>>) offsets(%dma_start3A_122 : memref<128xi32, #tpu.memory_space<vmem>>) semaphore(%arg9 : memref<!tpu.dma_semaphore, #tpu.memory_space<semaphore_mem>>)
      %mul3A_126 = arith.constant 256 : i32
      %mul3A_127 = arith.muli %mul3A_43, %mul3A_126 : i32
      %add3A_128 = arith.constant 0 : i32
      %add3A_129 = arith.addi %mul3A_127, %add3A_128 : i32
      %mul3A_130 = arith.constant 256 : i32
      %mul3A_131 = arith.muli %mul3A_43, %mul3A_130 : i32
      %add3A_132 = arith.constant 128 : i32
      %add3A_133 = arith.addi %mul3A_131, %add3A_132 : i32
      %dma_wait3A_134 = arith.constant 0 : i32
      %dma_wait3A_135 = arith.constant 0 : i32
      %dma_wait3A_136 = arith.constant 0 : i32
      %dma_wait3A_137 = tpu.memref_slice %arg8[%dma_wait3A_134, %dma_wait3A_135, %dma_wait3A_136] : memref<2x256x128xf32, #tpu.memory_space<vmem>> -> memref<1x128x128xf32, #tpu.memory_space<vmem>>
      %dma_wait3A_138 = tpu.memref_squeeze %dma_wait3A_137 : memref<1x128x128xf32, #tpu.memory_space<vmem>> -> memref<128x128xf32, #tpu.memory_space<vmem>>
      %dma_wait3A_139 = tpu.memref_slice %arg7[%add3A_129] : memref<8192xi32, #tpu.memory_space<vmem>> -> memref<128xi32, #tpu.memory_space<vmem>>
      %dma_wait3A_140 = arith.constant 0 : i32
      %dma_wait3A_141 = arith.constant 0 : i32
      %dma_wait3A_142 = tpu.memref_slice %arg2[%dma_wait3A_140, %dma_wait3A_141] : memref<200000x128xf32, #tpu.memory_space<hbm>> -> memref<200000x128xf32, #tpu.memory_space<hbm>>
      tpu.wait_indirect_dma semaphore(%arg10 : memref<!tpu.dma_semaphore, #tpu.memory_space<semaphore_mem>>) src(%dma_wait3A_142 : memref<200000x128xf32, #tpu.memory_space<hbm>>) dst(%dma_wait3A_138 : memref<128x128xf32, #tpu.memory_space<vmem>>)
      %dma_wait3A_143 = arith.constant 0 : i32
      %dma_wait3A_144 = arith.constant 128 : i32
      %dma_wait3A_145 = arith.constant 0 : i32
      %dma_wait3A_146 = tpu.memref_slice %arg8[%dma_wait3A_143, %dma_wait3A_144, %dma_wait3A_145] : memref<2x256x128xf32, #tpu.memory_space<vmem>> -> memref<1x128x128xf32, #tpu.memory_space<vmem>>
      %dma_wait3A_147 = tpu.memref_squeeze %dma_wait3A_146 : memref<1x128x128xf32, #tpu.memory_space<vmem>> -> memref<128x128xf32, #tpu.memory_space<vmem>>
      %dma_wait3A_148 = tpu.memref_slice %arg7[%add3A_133] : memref<8192xi32, #tpu.memory_space<vmem>> -> memref<128xi32, #tpu.memory_space<vmem>>
      %dma_wait3A_149 = arith.constant 0 : i32
      %dma_wait3A_150 = arith.constant 0 : i32
      %dma_wait3A_151 = tpu.memref_slice %arg2[%dma_wait3A_149, %dma_wait3A_150] : memref<200000x128xf32, #tpu.memory_space<hbm>> -> memref<200000x128xf32, #tpu.memory_space<hbm>>
      tpu.wait_indirect_dma semaphore(%arg10 : memref<!tpu.dma_semaphore, #tpu.memory_space<semaphore_mem>>) src(%dma_wait3A_151 : memref<200000x128xf32, #tpu.memory_space<hbm>>) dst(%dma_wait3A_147 : memref<128x128xf32, #tpu.memory_space<vmem>>)
      %mul3A_152 = arith.constant 256 : i32
      %mul3A_153 = arith.muli %mul3A_43, %mul3A_152 : i32
      %add3A_154 = arith.addi %mul3A_2, %mul3A_153 : i32
      %dma_start3A_155 = arith.constant 0 : i32
      %dma_start3A_156 = arith.constant 0 : i32
      %dma_start3A_157 = arith.constant 0 : i32
      %dma_start3A_158 = tpu.memref_slice %arg8[%dma_start3A_155, %dma_start3A_156, %dma_start3A_157] : memref<2x256x128xf32, #tpu.memory_space<vmem>> -> memref<1x256x128xf32, #tpu.memory_space<vmem>>
      %dma_start3A_159 = tpu.memref_squeeze %dma_start3A_158 : memref<1x256x128xf32, #tpu.memory_space<vmem>> -> memref<256x128xf32, #tpu.memory_space<vmem>>
      %dma_start3A_160 = arith.constant 0 : i32
      %dma_start3A_161 = tpu.memref_slice %arg5[%add3A_154, %dma_start3A_160] : memref<262144x128xf32, #tpu.memory_space<hbm>> -> memref<256x128xf32, #tpu.memory_space<hbm>>
      %dma_start3A_162 = arith.constant 0 : i32
      %dma_start3A_163 = tpu.memref_slice %arg5[%add3A_154, %dma_start3A_162] : memref<262144x128xf32, #tpu.memory_space<hbm>> -> memref<256x128xf32, #tpu.memory_space<hbm>>
      %dma_start3A_164 = arith.constant 0 : i32
      %dma_start3A_165 = arith.constant 0 : i32
      %dma_start3A_166 = tpu.memref_slice %arg8[%dma_start3A_155, %dma_start3A_164, %dma_start3A_165] : memref<2x256x128xf32, #tpu.memory_space<vmem>> -> memref<1x256x128xf32, #tpu.memory_space<vmem>>
      %dma_start3A_167 = tpu.memref_squeeze %dma_start3A_166 : memref<1x256x128xf32, #tpu.memory_space<vmem>> -> memref<256x128xf32, #tpu.memory_space<vmem>>
      tpu.enqueue_dma source(%dma_start3A_167 : memref<256x128xf32, #tpu.memory_space<vmem>>) target(%dma_start3A_163 : memref<256x128xf32, #tpu.memory_space<hbm>>) target_semaphore(%arg11 : memref<!tpu.dma_semaphore, #tpu.memory_space<semaphore_mem>>)
      %mul3A_168 = arith.constant 256 : i32
      %mul3A_169 = arith.muli %add3A_45, %mul3A_168 : i32
      %add3A_170 = arith.constant 0 : i32
      %add3A_171 = arith.addi %mul3A_169, %add3A_170 : i32
      %mul3A_172 = arith.constant 256 : i32
      %mul3A_173 = arith.muli %add3A_45, %mul3A_172 : i32
      %add3A_174 = arith.constant 128 : i32
      %add3A_175 = arith.addi %mul3A_173, %add3A_174 : i32
      %dma_wait3A_176 = arith.constant 1 : i32
      %dma_wait3A_177 = arith.constant 0 : i32
      %dma_wait3A_178 = arith.constant 0 : i32
      %dma_wait3A_179 = tpu.memref_slice %arg8[%dma_wait3A_176, %dma_wait3A_177, %dma_wait3A_178] : memref<2x256x128xf32, #tpu.memory_space<vmem>> -> memref<1x128x128xf32, #tpu.memory_space<vmem>>
      %dma_wait3A_180 = tpu.memref_squeeze %dma_wait3A_179 : memref<1x128x128xf32, #tpu.memory_space<vmem>> -> memref<128x128xf32, #tpu.memory_space<vmem>>
      %dma_wait3A_181 = tpu.memref_slice %arg6[%add3A_171] : memref<8192xi32, #tpu.memory_space<vmem>> -> memref<128xi32, #tpu.memory_space<vmem>>
      %dma_wait3A_182 = arith.constant 0 : i32
      %dma_wait3A_183 = arith.constant 0 : i32
      %dma_wait3A_184 = tpu.memref_slice %arg2[%dma_wait3A_182, %dma_wait3A_183] : memref<200000x128xf32, #tpu.memory_space<hbm>> -> memref<200000x128xf32, #tpu.memory_space<hbm>>
      tpu.wait_indirect_dma semaphore(%arg9 : memref<!tpu.dma_semaphore, #tpu.memory_space<semaphore_mem>>) src(%dma_wait3A_184 : memref<200000x128xf32, #tpu.memory_space<hbm>>) dst(%dma_wait3A_180 : memref<128x128xf32, #tpu.memory_space<vmem>>)
      %dma_wait3A_185 = arith.constant 1 : i32
      %dma_wait3A_186 = arith.constant 128 : i32
      %dma_wait3A_187 = arith.constant 0 : i32
      %dma_wait3A_188 = tpu.memref_slice %arg8[%dma_wait3A_185, %dma_wait3A_186, %dma_wait3A_187] : memref<2x256x128xf32, #tpu.memory_space<vmem>> -> memref<1x128x128xf32, #tpu.memory_space<vmem>>
      %dma_wait3A_189 = tpu.memref_squeeze %dma_wait3A_188 : memref<1x128x128xf32, #tpu.memory_space<vmem>> -> memref<128x128xf32, #tpu.memory_space<vmem>>
      %dma_wait3A_190 = tpu.memref_slice %arg6[%add3A_175] : memref<8192xi32, #tpu.memory_space<vmem>> -> memref<128xi32, #tpu.memory_space<vmem>>
      %dma_wait3A_191 = arith.constant 0 : i32
      %dma_wait3A_192 = arith.constant 0 : i32
      %dma_wait3A_193 = tpu.memref_slice %arg2[%dma_wait3A_191, %dma_wait3A_192] : memref<200000x128xf32, #tpu.memory_space<hbm>> -> memref<200000x128xf32, #tpu.memory_space<hbm>>
      tpu.wait_indirect_dma semaphore(%arg9 : memref<!tpu.dma_semaphore, #tpu.memory_space<semaphore_mem>>) src(%dma_wait3A_193 : memref<200000x128xf32, #tpu.memory_space<hbm>>) dst(%dma_wait3A_189 : memref<128x128xf32, #tpu.memory_space<vmem>>)
      %mul3A_194 = arith.constant 256 : i32
      %mul3A_195 = arith.muli %add3A_45, %mul3A_194 : i32
      %add3A_196 = arith.constant 0 : i32
      %add3A_197 = arith.addi %mul3A_195, %add3A_196 : i32
      %mul3A_198 = arith.constant 256 : i32
      %mul3A_199 = arith.muli %add3A_45, %mul3A_198 : i32
      %add3A_200 = arith.constant 128 : i32
      %add3A_201 = arith.addi %mul3A_199, %add3A_200 : i32
      %dma_start3A_202 = arith.constant 1 : i32
      %dma_start3A_203 = arith.constant 0 : i32
      %dma_start3A_204 = arith.constant 0 : i32
      %dma_start3A_205 = tpu.memref_slice %arg8[%dma_start3A_202, %dma_start3A_203, %dma_start3A_204] : memref<2x256x128xf32, #tpu.memory_space<vmem>> -> memref<1x128x128xf32, #tpu.memory_space<vmem>>
      %dma_start3A_206 = tpu.memref_squeeze %dma_start3A_205 : memref<1x128x128xf32, #tpu.memory_space<vmem>> -> memref<128x128xf32, #tpu.memory_space<vmem>>
      %dma_start3A_207 = tpu.memref_slice %arg7[%add3A_197] : memref<8192xi32, #tpu.memory_space<vmem>> -> memref<128xi32, #tpu.memory_space<vmem>>
      %dma_start3A_208 = arith.constant 0 : i32
      %dma_start3A_209 = arith.constant 0 : i32
      %dma_start3A_210 = tpu.memref_slice %arg2[%dma_start3A_208, %dma_start3A_209] : memref<200000x128xf32, #tpu.memory_space<hbm>> -> memref<200000x128xf32, #tpu.memory_space<hbm>>
      tpu.enqueue_indirect_dma source(%dma_start3A_210 : memref<200000x128xf32, #tpu.memory_space<hbm>>) target(%dma_start3A_206 : memref<128x128xf32, #tpu.memory_space<vmem>>) offsets(%dma_start3A_207 : memref<128xi32, #tpu.memory_space<vmem>>) semaphore(%arg10 : memref<!tpu.dma_semaphore, #tpu.memory_space<semaphore_mem>>) {add = true}
      %dma_start3A_211 = arith.constant 1 : i32
      %dma_start3A_212 = arith.constant 128 : i32
      %dma_start3A_213 = arith.constant 0 : i32
      %dma_start3A_214 = tpu.memref_slice %arg8[%dma_start3A_211, %dma_start3A_212, %dma_start3A_213] : memref<2x256x128xf32, #tpu.memory_space<vmem>> -> memref<1x128x128xf32, #tpu.memory_space<vmem>>
      %dma_start3A_215 = tpu.memref_squeeze %dma_start3A_214 : memref<1x128x128xf32, #tpu.memory_space<vmem>> -> memref<128x128xf32, #tpu.memory_space<vmem>>
      %dma_start3A_216 = tpu.memref_slice %arg7[%add3A_201] : memref<8192xi32, #tpu.memory_space<vmem>> -> memref<128xi32, #tpu.memory_space<vmem>>
      %dma_start3A_217 = arith.constant 0 : i32
      %dma_start3A_218 = arith.constant 0 : i32
      %dma_start3A_219 = tpu.memref_slice %arg2[%dma_start3A_217, %dma_start3A_218] : memref<200000x128xf32, #tpu.memory_space<hbm>> -> memref<200000x128xf32, #tpu.memory_space<hbm>>
      tpu.enqueue_indirect_dma source(%dma_start3A_219 : memref<200000x128xf32, #tpu.memory_space<hbm>>) target(%dma_start3A_215 : memref<128x128xf32, #tpu.memory_space<vmem>>) offsets(%dma_start3A_216 : memref<128xi32, #tpu.memory_space<vmem>>) semaphore(%arg10 : memref<!tpu.dma_semaphore, #tpu.memory_space<semaphore_mem>>) {add = true}
      %mul3A_220 = arith.constant 256 : i32
      %mul3A_221 = arith.muli %mul3A_43, %mul3A_220 : i32
      %add3A_222 = arith.addi %mul3A_2, %mul3A_221 : i32
      %dma_wait3A_223 = arith.constant 0 : i32
      %dma_wait3A_224 = arith.constant 0 : i32
      %dma_wait3A_225 = arith.constant 0 : i32
      %dma_wait3A_226 = tpu.memref_slice %arg8[%dma_wait3A_223, %dma_wait3A_224, %dma_wait3A_225] : memref<2x256x128xf32, #tpu.memory_space<vmem>> -> memref<1x256x128xf32, #tpu.memory_space<vmem>>
      %dma_wait3A_227 = tpu.memref_squeeze %dma_wait3A_226 : memref<1x256x128xf32, #tpu.memory_space<vmem>> -> memref<256x128xf32, #tpu.memory_space<vmem>>
      %dma_wait3A_228 = arith.constant 0 : i32
      %dma_wait3A_229 = tpu.memref_slice %arg5[%add3A_222, %dma_wait3A_228] : memref<262144x128xf32, #tpu.memory_space<hbm>> -> memref<256x128xf32, #tpu.memory_space<hbm>>
      %dma_wait3A_230 = arith.constant 0 : i32
      %dma_wait3A_231 = tpu.memref_slice %arg5[%add3A_222, %dma_wait3A_230] : memref<262144x128xf32, #tpu.memory_space<hbm>> -> memref<256x128xf32, #tpu.memory_space<hbm>>
      %dma_wait3A_232 = arith.constant 0 : i32
      %dma_wait3A_233 = arith.constant 0 : i32
      %dma_wait3A_234 = tpu.memref_slice %arg8[%dma_wait3A_223, %dma_wait3A_232, %dma_wait3A_233] : memref<2x256x128xf32, #tpu.memory_space<vmem>> -> memref<1x256x128xf32, #tpu.memory_space<vmem>>
      %dma_wait3A_235 = tpu.memref_squeeze %dma_wait3A_234 : memref<1x256x128xf32, #tpu.memory_space<vmem>> -> memref<256x128xf32, #tpu.memory_space<vmem>>
      tpu.wait_dma2 semaphore(%arg11 : memref<!tpu.dma_semaphore, #tpu.memory_space<semaphore_mem>>) src(%dma_wait3A_235 : memref<256x128xf32, #tpu.memory_space<vmem>>) dst(%dma_wait3A_231 : memref<256x128xf32, #tpu.memory_space<hbm>>)
      %lt3A = arith.constant 15 : i32
      %lt3A_236 = arith.cmpi slt, %scan3A_41, %lt3A : i32
      %convert_element_type3A_237 = arith.extui %lt3A_236 : i1 to i32
      %cond3A_238 = arith.constant 0 : i32
      %cond3A_239 = arith.cmpi ne, %convert_element_type3A_237, %cond3A_238 : i32
      scf.if %cond3A_239 {
        %add3A_282 = arith.constant 2 : i32
        %add3A_283 = arith.addi %mul3A_43, %add3A_282 : i32
        %mul3A_284 = arith.constant 256 : i32
        %mul3A_285 = arith.muli %add3A_283, %mul3A_284 : i32
        %add3A_286 = arith.constant 0 : i32
        %add3A_287 = arith.addi %mul3A_285, %add3A_286 : i32
        %mul3A_288 = arith.constant 256 : i32
        %mul3A_289 = arith.muli %add3A_283, %mul3A_288 : i32
        %add3A_290 = arith.constant 128 : i32
        %add3A_291 = arith.addi %mul3A_289, %add3A_290 : i32
        %dma_start3A_292 = arith.constant 0 : i32
        %dma_start3A_293 = arith.constant 0 : i32
        %dma_start3A_294 = arith.constant 0 : i32
        %dma_start3A_295 = tpu.memref_slice %arg8[%dma_start3A_292, %dma_start3A_293, %dma_start3A_294] : memref<2x256x128xf32, #tpu.memory_space<vmem>> -> memref<1x128x128xf32, #tpu.memory_space<vmem>>
        %dma_start3A_296 = tpu.memref_squeeze %dma_start3A_295 : memref<1x128x128xf32, #tpu.memory_space<vmem>> -> memref<128x128xf32, #tpu.memory_space<vmem>>
        %dma_start3A_297 = tpu.memref_slice %arg6[%add3A_287] : memref<8192xi32, #tpu.memory_space<vmem>> -> memref<128xi32, #tpu.memory_space<vmem>>
        %dma_start3A_298 = arith.constant 0 : i32
        %dma_start3A_299 = arith.constant 0 : i32
        %dma_start3A_300 = tpu.memref_slice %arg2[%dma_start3A_298, %dma_start3A_299] : memref<200000x128xf32, #tpu.memory_space<hbm>> -> memref<200000x128xf32, #tpu.memory_space<hbm>>
        tpu.enqueue_indirect_dma source(%dma_start3A_300 : memref<200000x128xf32, #tpu.memory_space<hbm>>) target(%dma_start3A_296 : memref<128x128xf32, #tpu.memory_space<vmem>>) offsets(%dma_start3A_297 : memref<128xi32, #tpu.memory_space<vmem>>) semaphore(%arg9 : memref<!tpu.dma_semaphore, #tpu.memory_space<semaphore_mem>>)
        %dma_start3A_301 = arith.constant 0 : i32
        %dma_start3A_302 = arith.constant 128 : i32
        %dma_start3A_303 = arith.constant 0 : i32
        %dma_start3A_304 = tpu.memref_slice %arg8[%dma_start3A_301, %dma_start3A_302, %dma_start3A_303] : memref<2x256x128xf32, #tpu.memory_space<vmem>> -> memref<1x128x128xf32, #tpu.memory_space<vmem>>
        %dma_start3A_305 = tpu.memref_squeeze %dma_start3A_304 : memref<1x128x128xf32, #tpu.memory_space<vmem>> -> memref<128x128xf32, #tpu.memory_space<vmem>>
        %dma_start3A_306 = tpu.memref_slice %arg6[%add3A_291] : memref<8192xi32, #tpu.memory_space<vmem>> -> memref<128xi32, #tpu.memory_space<vmem>>
        %dma_start3A_307 = arith.constant 0 : i32
        %dma_start3A_308 = arith.constant 0 : i32
        %dma_start3A_309 = tpu.memref_slice %arg2[%dma_start3A_307, %dma_start3A_308] : memref<200000x128xf32, #tpu.memory_space<hbm>> -> memref<200000x128xf32, #tpu.memory_space<hbm>>
        tpu.enqueue_indirect_dma source(%dma_start3A_309 : memref<200000x128xf32, #tpu.memory_space<hbm>>) target(%dma_start3A_305 : memref<128x128xf32, #tpu.memory_space<vmem>>) offsets(%dma_start3A_306 : memref<128xi32, #tpu.memory_space<vmem>>) semaphore(%arg9 : memref<!tpu.dma_semaphore, #tpu.memory_space<semaphore_mem>>)
      } else {
      }
      %mul3A_240 = arith.constant 256 : i32
      %mul3A_241 = arith.muli %add3A_45, %mul3A_240 : i32
      %add3A_242 = arith.constant 0 : i32
      %add3A_243 = arith.addi %mul3A_241, %add3A_242 : i32
      %mul3A_244 = arith.constant 256 : i32
      %mul3A_245 = arith.muli %add3A_45, %mul3A_244 : i32
      %add3A_246 = arith.constant 128 : i32
      %add3A_247 = arith.addi %mul3A_245, %add3A_246 : i32
      %dma_wait3A_248 = arith.constant 1 : i32
      %dma_wait3A_249 = arith.constant 0 : i32
      %dma_wait3A_250 = arith.constant 0 : i32
      %dma_wait3A_251 = tpu.memref_slice %arg8[%dma_wait3A_248, %dma_wait3A_249, %dma_wait3A_250] : memref<2x256x128xf32, #tpu.memory_space<vmem>> -> memref<1x128x128xf32, #tpu.memory_space<vmem>>
      %dma_wait3A_252 = tpu.memref_squeeze %dma_wait3A_251 : memref<1x128x128xf32, #tpu.memory_space<vmem>> -> memref<128x128xf32, #tpu.memory_space<vmem>>
      %dma_wait3A_253 = tpu.memref_slice %arg7[%add3A_243] : memref<8192xi32, #tpu.memory_space<vmem>> -> memref<128xi32, #tpu.memory_space<vmem>>
      %dma_wait3A_254 = arith.constant 0 : i32
      %dma_wait3A_255 = arith.constant 0 : i32
      %dma_wait3A_256 = tpu.memref_slice %arg2[%dma_wait3A_254, %dma_wait3A_255] : memref<200000x128xf32, #tpu.memory_space<hbm>> -> memref<200000x128xf32, #tpu.memory_space<hbm>>
      tpu.wait_indirect_dma semaphore(%arg10 : memref<!tpu.dma_semaphore, #tpu.memory_space<semaphore_mem>>) src(%dma_wait3A_256 : memref<200000x128xf32, #tpu.memory_space<hbm>>) dst(%dma_wait3A_252 : memref<128x128xf32, #tpu.memory_space<vmem>>)
      %dma_wait3A_257 = arith.constant 1 : i32
      %dma_wait3A_258 = arith.constant 128 : i32
      %dma_wait3A_259 = arith.constant 0 : i32
      %dma_wait3A_260 = tpu.memref_slice %arg8[%dma_wait3A_257, %dma_wait3A_258, %dma_wait3A_259] : memref<2x256x128xf32, #tpu.memory_space<vmem>> -> memref<1x128x128xf32, #tpu.memory_space<vmem>>
      %dma_wait3A_261 = tpu.memref_squeeze %dma_wait3A_260 : memref<1x128x128xf32, #tpu.memory_space<vmem>> -> memref<128x128xf32, #tpu.memory_space<vmem>>
      %dma_wait3A_262 = tpu.memref_slice %arg7[%add3A_247] : memref<8192xi32, #tpu.memory_space<vmem>> -> memref<128xi32, #tpu.memory_space<vmem>>
      %dma_wait3A_263 = arith.constant 0 : i32
      %dma_wait3A_264 = arith.constant 0 : i32
      %dma_wait3A_265 = tpu.memref_slice %arg2[%dma_wait3A_263, %dma_wait3A_264] : memref<200000x128xf32, #tpu.memory_space<hbm>> -> memref<200000x128xf32, #tpu.memory_space<hbm>>
      tpu.wait_indirect_dma semaphore(%arg10 : memref<!tpu.dma_semaphore, #tpu.memory_space<semaphore_mem>>) src(%dma_wait3A_265 : memref<200000x128xf32, #tpu.memory_space<hbm>>) dst(%dma_wait3A_261 : memref<128x128xf32, #tpu.memory_space<vmem>>)
      %mul3A_266 = arith.constant 256 : i32
      %mul3A_267 = arith.muli %add3A_45, %mul3A_266 : i32
      %add3A_268 = arith.addi %mul3A_2, %mul3A_267 : i32
      %dma_start3A_269 = arith.constant 1 : i32
      %dma_start3A_270 = arith.constant 0 : i32
      %dma_start3A_271 = arith.constant 0 : i32
      %dma_start3A_272 = tpu.memref_slice %arg8[%dma_start3A_269, %dma_start3A_270, %dma_start3A_271] : memref<2x256x128xf32, #tpu.memory_space<vmem>> -> memref<1x256x128xf32, #tpu.memory_space<vmem>>
      %dma_start3A_273 = tpu.memref_squeeze %dma_start3A_272 : memref<1x256x128xf32, #tpu.memory_space<vmem>> -> memref<256x128xf32, #tpu.memory_space<vmem>>
      %dma_start3A_274 = arith.constant 0 : i32
      %dma_start3A_275 = tpu.memref_slice %arg5[%add3A_268, %dma_start3A_274] : memref<262144x128xf32, #tpu.memory_space<hbm>> -> memref<256x128xf32, #tpu.memory_space<hbm>>
      %dma_start3A_276 = arith.constant 0 : i32
      %dma_start3A_277 = tpu.memref_slice %arg5[%add3A_268, %dma_start3A_276] : memref<262144x128xf32, #tpu.memory_space<hbm>> -> memref<256x128xf32, #tpu.memory_space<hbm>>
      %dma_start3A_278 = arith.constant 0 : i32
      %dma_start3A_279 = arith.constant 0 : i32
      %dma_start3A_280 = tpu.memref_slice %arg8[%dma_start3A_269, %dma_start3A_278, %dma_start3A_279] : memref<2x256x128xf32, #tpu.memory_space<vmem>> -> memref<1x256x128xf32, #tpu.memory_space<vmem>>
      %dma_start3A_281 = tpu.memref_squeeze %dma_start3A_280 : memref<1x256x128xf32, #tpu.memory_space<vmem>> -> memref<256x128xf32, #tpu.memory_space<vmem>>
      tpu.enqueue_dma source(%dma_start3A_281 : memref<256x128xf32, #tpu.memory_space<vmem>>) target(%dma_start3A_277 : memref<256x128xf32, #tpu.memory_space<hbm>>) target_semaphore(%arg11 : memref<!tpu.dma_semaphore, #tpu.memory_space<semaphore_mem>>)
    }
    %scan3A_26 = arith.constant 16 : i32
    %add3A_27 = arith.constant 7936 : i32
    %add3A_28 = arith.addi %mul3A_2, %add3A_27 : i32
    %dma_wait3A = arith.constant 1 : i32
    %dma_wait3A_29 = arith.constant 0 : i32
    %dma_wait3A_30 = arith.constant 0 : i32
    %dma_wait3A_31 = tpu.memref_slice %arg8[%dma_wait3A, %dma_wait3A_29, %dma_wait3A_30] : memref<2x256x128xf32, #tpu.memory_space<vmem>> -> memref<1x256x128xf32, #tpu.memory_space<vmem>>
    %dma_wait3A_32 = tpu.memref_squeeze %dma_wait3A_31 : memref<1x256x128xf32, #tpu.memory_space<vmem>> -> memref<256x128xf32, #tpu.memory_space<vmem>>
    %dma_wait3A_33 = arith.constant 0 : i32
    %dma_wait3A_34 = tpu.memref_slice %arg5[%add3A_28, %dma_wait3A_33] : memref<262144x128xf32, #tpu.memory_space<hbm>> -> memref<256x128xf32, #tpu.memory_space<hbm>>
    %dma_wait3A_35 = arith.constant 0 : i32
    %dma_wait3A_36 = tpu.memref_slice %arg5[%add3A_28, %dma_wait3A_35] : memref<262144x128xf32, #tpu.memory_space<hbm>> -> memref<256x128xf32, #tpu.memory_space<hbm>>
    %dma_wait3A_37 = arith.constant 0 : i32
    %dma_wait3A_38 = arith.constant 0 : i32
    %dma_wait3A_39 = tpu.memref_slice %arg8[%dma_wait3A, %dma_wait3A_37, %dma_wait3A_38] : memref<2x256x128xf32, #tpu.memory_space<vmem>> -> memref<1x256x128xf32, #tpu.memory_space<vmem>>
    %dma_wait3A_40 = tpu.memref_squeeze %dma_wait3A_39 : memref<1x256x128xf32, #tpu.memory_space<vmem>> -> memref<256x128xf32, #tpu.memory_space<vmem>>
    tpu.wait_dma2 semaphore(%arg11 : memref<!tpu.dma_semaphore, #tpu.memory_space<semaphore_mem>>) src(%dma_wait3A_40 : memref<256x128xf32, #tpu.memory_space<vmem>>) dst(%dma_wait3A_36 : memref<256x128xf32, #tpu.memory_space<hbm>>)
    return
  }
}

module attributes {stable_mosaic.version = 14 : i64} {
  func.func @_hop_body(%arg0: i32, %arg1: memref<512x64xf32, #tpu.memory_space<vmem>>, %arg2: memref<512x16x128xf32, #tpu.memory_space<vmem>>, %arg3: memref<128x128xf32, #tpu.memory_space<vmem>>, %arg4: memref<512x64xf32, #tpu.memory_space<vmem>>) attributes {dimension_semantics = [#tpu.dimension_semantics<arbitrary>], iteration_bounds = array<i64: 32>, scalar_prefetch = 0 : i64, scratch_operands = 0 : i64, tpu.core_type = #tpu.core_type<tc>, window_params = [{transform_indices = @transform_0, window_bounds = array<i64: 512, 64>}, {transform_indices = @transform_1, window_bounds = array<i64: 512, 16, 128>}, {pipeline_mode = #tpu.pipeline_mode<synchronous>, transform_indices = @transform_2, window_bounds = array<i64: 128, 128>}, {transform_indices = @transform_3, window_bounds = array<i64: 512, 64>}]} {
    %get3A = arith.constant 0 : index
    %get3A_0 = arith.constant 0 : index
    %get3A_1 = vector.load %arg1[%get3A, %get3A_0] : memref<512x64xf32, #tpu.memory_space<vmem>>, vector<512x64xf32>
    %concatenate3A = tpu.concatenate %get3A_1, %get3A_1 in 1 : vector<512x64xf32>, vector<512x64xf32> -> vector<512x128xf32>
    %get3A_2 = arith.constant 0 : index
    %get3A_3 = arith.constant 0 : index
    %get3A_4 = arith.constant 0 : index
    %get3A_5 = vector.load %arg2[%get3A_2, %get3A_3, %get3A_4] : memref<512x16x128xf32, #tpu.memory_space<vmem>>, vector<512x16x128xf32>
    %get3A_6 = arith.constant 0 : index
    %get3A_7 = arith.constant 0 : index
    %get3A_8 = vector.load %arg3[%get3A_6, %get3A_7] : memref<128x128xf32, #tpu.memory_space<vmem>>, vector<128x128xf32>
    %broadcast_in_dim3A = vector.shape_cast %concatenate3A : vector<512x128xf32> to vector<512x1x128xf32>
    %mul3A = vector.broadcast %broadcast_in_dim3A : vector<512x1x128xf32> to vector<512x16x128xf32>
    %mul3A_9 = arith.mulf %get3A_5, %mul3A : vector<512x16x128xf32>
    %reshape3A = vector.shape_cast %mul3A_9 : vector<512x16x128xf32> to vector<8192x128xf32>
    %dot_general3A = arith.constant dense<0.000000e+00> : vector<8192x128xf32>
    %dot_general3A_10 = tpu.matmul %reshape3A, %get3A_8, %dot_general3A {dimension_numbers = #tpu.dot_dimension_numbers<[1], [0], [0], [1], [0, 0, 1, 1], [], []>, transpose_lhs_hint = false} : vector<8192x128xf32>, vector<128x128xf32>, vector<8192x128xf32> -> vector<8192x128xf32>
    %reshape3A_11 = vector.shape_cast %dot_general3A_10 : vector<8192x128xf32> to vector<512x16x128xf32>
    %exp3A = math.exp %reshape3A_11 : vector<512x16x128xf32>
    %reduce_sum3A = arith.constant dense<0.000000e+00> : vector<512x128xf32>
    %reduce_sum3A_12 = vector.multi_reduction <add>, %exp3A, %reduce_sum3A [1] : vector<512x16x128xf32> to vector<512x128xf32>
    %slice3A = vector.extract_strided_slice %reduce_sum3A_12 {offsets = [0, 0], sizes = [512, 64], strides = [1, 1]} : vector<512x128xf32> to vector<512x64xf32>
    %slice3A_13 = vector.extract_strided_slice %reduce_sum3A_12 {offsets = [0, 64], sizes = [512, 64], strides = [1, 1]} : vector<512x128xf32> to vector<512x64xf32>
    %add3A = arith.addf %slice3A, %slice3A_13 : vector<512x64xf32>
    %div3A = arith.constant 1.000000e+00 : f32
    %div3A_14 = vector.broadcast %div3A : f32 to vector<512x64xf32>
    %div3A_15 = arith.divf %div3A_14, %add3A : vector<512x64xf32>
    %concatenate3A_16 = tpu.concatenate %div3A_15, %div3A_15 in 1 : vector<512x64xf32>, vector<512x64xf32> -> vector<512x128xf32>
    %mul3A_17 = arith.mulf %get3A_5, %exp3A : vector<512x16x128xf32>
    %reduce_sum3A_18 = arith.constant dense<0.000000e+00> : vector<512x128xf32>
    %reduce_sum3A_19 = vector.multi_reduction <add>, %mul3A_17, %reduce_sum3A_18 [1] : vector<512x16x128xf32> to vector<512x128xf32>
    %mul3A_20 = arith.mulf %reduce_sum3A_19, %concatenate3A_16 : vector<512x128xf32>
    %slice3A_21 = vector.extract_strided_slice %mul3A_20 {offsets = [0, 0], sizes = [512, 64], strides = [1, 1]} : vector<512x128xf32> to vector<512x64xf32>
    %slice3A_22 = vector.extract_strided_slice %mul3A_20 {offsets = [0, 64], sizes = [512, 64], strides = [1, 1]} : vector<512x128xf32> to vector<512x64xf32>
    %add3A_23 = arith.addf %slice3A_21, %slice3A_22 : vector<512x64xf32>
    %swap3A = arith.constant 0 : index
    %swap3A_24 = arith.constant 0 : index
    %swap3A_25 = vector.load %arg4[%swap3A, %swap3A_24] : memref<512x64xf32, #tpu.memory_space<vmem>>, vector<512x64xf32>
    tpu.vector_store %arg4[%swap3A, %swap3A_24], %add3A_23 {strides = array<i32>} : memref<512x64xf32, #tpu.memory_space<vmem>>, vector<512x64xf32>,
    return
  }
  func.func @transform_0(%arg0: i32) -> (i32, i32) {
    %c0_i32 = arith.constant 0 : i32
    %c0_i32_0 = arith.constant 0 : i32
    return %arg0, %c0_i32 : i32, i32
  }
  func.func @transform_1(%arg0: i32) -> (i32, i32, i32) {
    %c0_i32 = arith.constant 0 : i32
    %c0_i32_0 = arith.constant 0 : i32
    %c0_i32_1 = arith.constant 0 : i32
    return %arg0, %c0_i32, %c0_i32_0 : i32, i32, i32
  }
  func.func @transform_2(%arg0: i32) -> (i32, i32) {
    %c0_i32 = arith.constant 0 : i32
    %c0_i32_0 = arith.constant 0 : i32
    %c0_i32_1 = arith.constant 0 : i32
    return %c0_i32, %c0_i32_0 : i32, i32
  }
  func.func @transform_3(%arg0: i32) -> (i32, i32) {
    %c0_i32 = arith.constant 0 : i32
    %c0_i32_0 = arith.constant 0 : i32
    return %arg0, %c0_i32 : i32, i32
  }
}

module attributes {stable_mosaic.version = 14 : i64} {
  func.func @_final_body(%arg0: i32, %arg1: memref<512x64xf32, #tpu.memory_space<vmem>>, %arg2: memref<512x16x128xf32, #tpu.memory_space<vmem>>, %arg3: memref<128x64xf32, #tpu.memory_space<vmem>>, %arg4: memref<1x64xf32, #tpu.memory_space<vmem>>, %arg5: memref<128x128xf32, #tpu.memory_space<vmem>>, %arg6: memref<512x64xf32, #tpu.memory_space<vmem>>) attributes {dimension_semantics = [#tpu.dimension_semantics<arbitrary>], iteration_bounds = array<i64: 32>, scalar_prefetch = 0 : i64, scratch_operands = 0 : i64, tpu.core_type = #tpu.core_type<tc>, window_params = [{transform_indices = @transform_0, window_bounds = array<i64: 512, 64>}, {transform_indices = @transform_1, window_bounds = array<i64: 512, 16, 128>}, {pipeline_mode = #tpu.pipeline_mode<synchronous>, transform_indices = @transform_2, window_bounds = array<i64: 128, 64>}, {pipeline_mode = #tpu.pipeline_mode<synchronous>, transform_indices = @transform_3, window_bounds = array<i64: 1, 64>}, {pipeline_mode = #tpu.pipeline_mode<synchronous>, transform_indices = @transform_4, window_bounds = array<i64: 128, 128>}, {transform_indices = @transform_5, window_bounds = array<i64: 512, 64>}]} {
    %get3A = arith.constant 0 : index
    %get3A_0 = arith.constant 0 : index
    %get3A_1 = vector.load %arg1[%get3A, %get3A_0] : memref<512x64xf32, #tpu.memory_space<vmem>>, vector<512x64xf32>
    %get3A_2 = arith.constant 0 : index
    %get3A_3 = arith.constant 0 : index
    %get3A_4 = arith.constant 0 : index
    %get3A_5 = vector.load %arg2[%get3A_2, %get3A_3, %get3A_4] : memref<512x16x128xf32, #tpu.memory_space<vmem>>, vector<512x16x128xf32>
    %concatenate3A = tpu.concatenate %get3A_1, %get3A_1 in 1 : vector<512x64xf32>, vector<512x64xf32> -> vector<512x128xf32>
    %get3A_6 = arith.constant 0 : index
    %get3A_7 = arith.constant 0 : index
    %get3A_8 = vector.load %arg5[%get3A_6, %get3A_7] : memref<128x128xf32, #tpu.memory_space<vmem>>, vector<128x128xf32>
    %broadcast_in_dim3A = vector.shape_cast %concatenate3A : vector<512x128xf32> to vector<512x1x128xf32>
    %mul3A = vector.broadcast %broadcast_in_dim3A : vector<512x1x128xf32> to vector<512x16x128xf32>
    %mul3A_9 = arith.mulf %get3A_5, %mul3A : vector<512x16x128xf32>
    %reshape3A = vector.shape_cast %mul3A_9 : vector<512x16x128xf32> to vector<8192x128xf32>
    %dot_general3A = arith.constant dense<0.000000e+00> : vector<8192x128xf32>
    %dot_general3A_10 = tpu.matmul %reshape3A, %get3A_8, %dot_general3A {dimension_numbers = #tpu.dot_dimension_numbers<[1], [0], [0], [1], [0, 0, 1, 1], [], []>, transpose_lhs_hint = false} : vector<8192x128xf32>, vector<128x128xf32>, vector<8192x128xf32> -> vector<8192x128xf32>
    %reshape3A_11 = vector.shape_cast %dot_general3A_10 : vector<8192x128xf32> to vector<512x16x128xf32>
    %exp3A = math.exp %reshape3A_11 : vector<512x16x128xf32>
    %reduce_sum3A = arith.constant dense<0.000000e+00> : vector<512x128xf32>
    %reduce_sum3A_12 = vector.multi_reduction <add>, %exp3A, %reduce_sum3A [1] : vector<512x16x128xf32> to vector<512x128xf32>
    %slice3A = vector.extract_strided_slice %reduce_sum3A_12 {offsets = [0, 0], sizes = [512, 64], strides = [1, 1]} : vector<512x128xf32> to vector<512x64xf32>
    %slice3A_13 = vector.extract_strided_slice %reduce_sum3A_12 {offsets = [0, 64], sizes = [512, 64], strides = [1, 1]} : vector<512x128xf32> to vector<512x64xf32>
    %add3A = arith.addf %slice3A, %slice3A_13 : vector<512x64xf32>
    %div3A = arith.constant 1.000000e+00 : f32
    %div3A_14 = vector.broadcast %div3A : f32 to vector<512x64xf32>
    %div3A_15 = arith.divf %div3A_14, %add3A : vector<512x64xf32>
    %concatenate3A_16 = tpu.concatenate %div3A_15, %div3A_15 in 1 : vector<512x64xf32>, vector<512x64xf32> -> vector<512x128xf32>
    %mul3A_17 = arith.mulf %get3A_5, %exp3A : vector<512x16x128xf32>
    %reduce_sum3A_18 = arith.constant dense<0.000000e+00> : vector<512x128xf32>
    %reduce_sum3A_19 = vector.multi_reduction <add>, %mul3A_17, %reduce_sum3A_18 [1] : vector<512x16x128xf32> to vector<512x128xf32>
    %mul3A_20 = arith.mulf %reduce_sum3A_19, %concatenate3A_16 : vector<512x128xf32>
    %slice3A_21 = vector.extract_strided_slice %mul3A_20 {offsets = [0, 0], sizes = [512, 64], strides = [1, 1]} : vector<512x128xf32> to vector<512x64xf32>
    %slice3A_22 = vector.extract_strided_slice %mul3A_20 {offsets = [0, 64], sizes = [512, 64], strides = [1, 1]} : vector<512x128xf32> to vector<512x64xf32>
    %add3A_23 = arith.addf %slice3A_21, %slice3A_22 : vector<512x64xf32>
    %get3A_24 = arith.constant 0 : index
    %get3A_25 = arith.constant 0 : index
    %get3A_26 = vector.load %arg3[%get3A_24, %get3A_25] : memref<128x64xf32, #tpu.memory_space<vmem>>, vector<128x64xf32>
    %slice3A_27 = vector.extract_strided_slice %get3A_26 {offsets = [0, 0], sizes = [64, 64], strides = [1, 1]} : vector<128x64xf32> to vector<64x64xf32>
    %dot_general3A_28 = arith.constant dense<0.000000e+00> : vector<512x64xf32>
    %dot_general3A_29 = tpu.matmul %get3A_1, %slice3A_27, %dot_general3A_28 {dimension_numbers = #tpu.dot_dimension_numbers<[1], [0], [0], [1], [0, 0, 1, 1], [], []>, precision = #tpu.contract_precision<fp32>, transpose_lhs_hint = false} : vector<512x64xf32>, vector<64x64xf32>, vector<512x64xf32> -> vector<512x64xf32>
    %slice3A_30 = vector.extract_strided_slice %get3A_26 {offsets = [64, 0], sizes = [64, 64], strides = [1, 1]} : vector<128x64xf32> to vector<64x64xf32>
    %dot_general3A_31 = arith.constant dense<0.000000e+00> : vector<512x64xf32>
    %dot_general3A_32 = tpu.matmul %add3A_23, %slice3A_30, %dot_general3A_31 {dimension_numbers = #tpu.dot_dimension_numbers<[1], [0], [0], [1], [0, 0, 1, 1], [], []>, precision = #tpu.contract_precision<fp32>, transpose_lhs_hint = false} : vector<512x64xf32>, vector<64x64xf32>, vector<512x64xf32> -> vector<512x64xf32>
    %add3A_33 = arith.addf %dot_general3A_29, %dot_general3A_32 : vector<512x64xf32>
    %get3A_34 = arith.constant 0 : index
    %get3A_35 = arith.constant 0 : index
    %get3A_36 = vector.load %arg4[%get3A_34, %get3A_35] : memref<1x64xf32, #tpu.memory_space<vmem>>, vector<1x64xf32>
    %add3A_37 = vector.broadcast %get3A_36 : vector<1x64xf32> to vector<512x64xf32>
    %add3A_38 = arith.addf %add3A_33, %add3A_37 : vector<512x64xf32>
    %swap3A = arith.constant 0 : index
    %swap3A_39 = arith.constant 0 : index
    %swap3A_40 = vector.load %arg6[%swap3A, %swap3A_39] : memref<512x64xf32, #tpu.memory_space<vmem>>, vector<512x64xf32>
    tpu.vector_store %arg6[%swap3A, %swap3A_39], %add3A_38 {strides = array<i32>} : memref<512x64xf32, #tpu.memory_space<vmem>>, vector<512x64xf32>,
    return
  }
  func.func @transform_0(%arg0: i32) -> (i32, i32) {
    %c0_i32 = arith.constant 0 : i32
    %c0_i32_0 = arith.constant 0 : i32
    return %arg0, %c0_i32 : i32, i32
  }
  func.func @transform_1(%arg0: i32) -> (i32, i32, i32) {
    %c0_i32 = arith.constant 0 : i32
    %c0_i32_0 = arith.constant 0 : i32
    %c0_i32_1 = arith.constant 0 : i32
    return %arg0, %c0_i32, %c0_i32_0 : i32, i32, i32
  }
  func.func @transform_2(%arg0: i32) -> (i32, i32) {
    %c0_i32 = arith.constant 0 : i32
    %c0_i32_0 = arith.constant 0 : i32
    %c0_i32_1 = arith.constant 0 : i32
    return %c0_i32, %c0_i32_0 : i32, i32
  }
  func.func @transform_3(%arg0: i32) -> (i32, i32) {
    %c0_i32 = arith.constant 0 : i32
    %c0_i32_0 = arith.constant 0 : i32
    %c0_i32_1 = arith.constant 0 : i32
    return %c0_i32, %c0_i32_0 : i32, i32
  }
  func.func @transform_4(%arg0: i32) -> (i32, i32) {
    %c0_i32 = arith.constant 0 : i32
    %c0_i32_0 = arith.constant 0 : i32
    %c0_i32_1 = arith.constant 0 : i32
    return %c0_i32, %c0_i32_0 : i32, i32
  }
  func.func @transform_5(%arg0: i32) -> (i32, i32) {
    %c0_i32 = arith.constant 0 : i32
    %c0_i32_0 = arith.constant 0 : i32
    return %arg0, %c0_i32 : i32, i32
  }
}

</mosaic_0001>

<sc_bundles>
// kernel: kernel.6.cloned.1.call-start
scs
__scs_entry_jumppad:
0x0: {  	(pc) =	sbr.rel $0x88, $3  }
0x1: {  	(tag) =	ssettag $0x0;
	lr =	simm.s32 $0x1  }
0x2: {  	[smem:$0x3F9C] =	sst lr;
	_ =	strace $0xD0000000  }
0x3: {  	_ = 	snop  }
0x4: {  	_ = 	snop  }
0x5: {  	_ = 	snop  }
0x6: {  	_ = 	snop  }
0x7: {  	_ = 	snop  }
__scs_overlays_trampoline_lowered:
0x8: {  	[smem:$0x3FAB] =	sst s0  }
0x9: {  	[smem:$0x3FAC] =	sst s1  }
0xa: {  	[smem:$0x3FAD] =	sst s2  }
0xb: {  	[smem:$0x3FAE] =	sst s3  }
0xc: {  	[smem:$0x3FAF] =	sst s4  }
0xd: {  	[smem:$0x3FB0] =	sst s5  }
0xe: {  	[smem:$0x3FB1] =	sst s6  }
0xf: {  	[smem:$0x3FB2] =	sst s7  }
0x10: {  	[smem:$0x3FB3] =	sst s8  }
0x11: {  	[smem:$0x3FB4] =	sst s9;
	s0 =	simm.s32 @!p0 $0x0  }
0x12: {  	s1 =	sld [smem:$0x3F9A];
	s0 =	simm.s32 @p0 $0x1  }
0x13: {  	[smem:$0x3FB5] =	sst s0;
	s0 =	simm.s32 @!p1 $0x0  }
0x14: {  	s2 =	sld [smem:$0x3F99];
	s0 =	simm.s32 @p1 $0x1  }
0x15: {  	[smem:$0x3FB6] =	sst s0;
	s0 =	simm.s32 @!p2 $0x0  }
0x16: {  	s3 =	sld [smem:$0x3FDB];
	s0 =	simm.s32 @p2 $0x1  }
0x17: {  	s4 =	simm.s32 $0x1BF5;
	[smem:$0x3FB8] =	sst s0  }
0x18: {  	s0 =	sld [smem:$0x3F9B];
	_ =	swait.ge [sflag:s4], $0x0  }
0x19: {  	s7 =	sld [smem:$0x3F9C]  }
0x1a: {  	s8 =	sadd.s32 $0xFFFFE003, lr  }
0x1b: {  	s9 =	sadd.s32 $0xFFFFFEF7, lr;
	s5 =	simm.s32 $0xFFFFFFFF;
	p2 =	slt.u32 s8, $0xFFFFF086  }
0x1c: {  	p1 =	slt.u32 s9, $0xF7A;
	s5 =	simm.s32 @!p2 $0x0  }
0x1d: {  	s5 =	simm.s32 @p1 $0x1;
	p0 =	seq.s32 s7, s2  }
0x1e: {  	s7 =	smul.u32 @!p0 $0xF7A, s2;
	p2 =	seq.s32 @!p0 s5, $0x0  }
0x1f: {  	s9 =	smul.u32 $0xF7A, s1;
	s8 =	simm.s32 @!p0 $0x1BF5;
	p2 =	por !p2, p0  }
0x20: {  	[sflag:s8] =	ssyncset.s32 @!p0 $0xFFFFF086;
	s6 =	sadd.s32 @!p0 s3, s7;
	s7 =	simm.s32 @!p0 $0x108  }
0x21: {  	s3 =	sadd.s32 s3, s9;
	s6 =	sadd.s32 @!p0 $0x88, s6;
	s7 =	simm.s32 @p2 $0x1082  }
0x22: {  	[simem:s7], [sflag:s8] =	dma.local @!p0 [hbm:s6], $0xF7A  }
0x23: {  	s9 =	sor.u32 $0xD0000000, s2;
	s6 =	simm.s32 $0x108;
	_ =	swait.ge @!p0 [sflag:s8], $0x0  }
0x24: {  	s3 =	sadd.s32 $0x88, s3;
	s6 =	simm.s32 @!p1 $0x1082;
	[sflag:s4] =	ssyncset.s32 $0xFFFFF086  }
0x25: {  	[simem:s6], [sflag:s4] =	dma.local [hbm:s3], $0xF7A  }
0x26: {  	[smem:$0x3F9C] =	sst s1;
	(tag) =	ssettag s2;
	_ =	strace s9  }
0x27: {  	s1 =	sld [smem:$0x3FAC]  }
0x28: {  	s2 =	sld [smem:$0x3FAD]  }
0x29: {  	s4 =	sld [smem:$0x3FAF]  }
0x2a: {  	p0 =	seq.s32 s5, $0x0;
	s5 =	sld [smem:$0x3FB0]  }
0x2b: {  	s6 =	sld [smem:$0x3FB1]  }
0x2c: {  	s7 =	sld [smem:$0x3FB2]  }
0x2d: {  	s3 =	simm.s32 $0x108;
	s8 =	sld [smem:$0x3FB3]  }
0x2e: {  	s3 =	simm.s32 @!p0 $0x1082;
	s9 =	sld [smem:$0x3FB4]  }
0x2f: {  	lr =	sadd.s32 s0, s3;
	s0 =	sld [smem:$0x3FAB]  }
0x30: {  	s3 =	sld [smem:$0x3FAE]  }
0x31: {  	[smem:$0x3FB7] =	sst s10  }
0x32: {  	s10 =	sld [smem:$0x3FB5];
	_ =	sdelay $0x3  }
0x33: {  	p0 =	seq.s32 s10, $0x1;
	s10 =	sld [smem:$0x3FB7];
	_ =	sdelay $0x3  }
0x34: {  	[smem:$0x3FB7] =	sst s10  }
0x35: {  	s10 =	sld [smem:$0x3FB6];
	_ =	sdelay $0x3  }
0x36: {  	p1 =	seq.s32 s10, $0x1;
	s10 =	sld [smem:$0x3FB7];
	_ =	sdelay $0x3  }
0x37: {  	[smem:$0x3FB7] =	sst s10  }
0x38: {  	s10 =	sld [smem:$0x3FB8]  }
0x39: {  	_ = 	snop;
	(pc) =	sbr.ind lr, $3  }
0x3a: {  	_ = 	snop  }
0x3b: {  	_ = 	snop  }
0x3c: {  	p2 =	seq.s32 s10, $0x1;
	s10 =	sld [smem:$0x3FB7]  }
0x3d: {  	_ =	shalt  }
0x3e: {  	_ =	shalt  }
0x3f: {  	_ =	shalt  }
0x40: {  	_ =	shalt  }
0x41: {  	_ =	shalt  }
0x42: {  	_ =	shalt  }
0x43: {  	_ =	shalt  }
0x44: {  	_ =	shalt  }
0x45: {  	_ =	shalt  }
0x46: {  	_ =	shalt  }
0x47: {  	_ =	shalt  }
0x48: {  	_ =	shalt  }
0x49: {  	_ =	shalt  }
0x4a: {  	_ =	shalt  }
0x4b: {  	_ =	shalt  }
0x4c: {  	_ =	shalt  }
0x4d: {  	_ =	shalt  }
0x4e: {  	_ =	shalt  }
0x4f: {  	_ =	shalt  }
0x50: {  	_ =	shalt  }
0x51: {  	_ =	shalt  }
0x52: {  	_ =	shalt  }
0x53: {  	_ =	shalt  }
0x54: {  	_ =	shalt  }
0x55: {  	_ =	shalt  }
0x56: {  	_ =	shalt  }
0x57: {  	_ =	shalt  }
0x58: {  	_ =	shalt  }
0x59: {  	_ =	shalt  }
0x5a: {  	_ =	shalt  }
0x5b: {  	_ =	shalt  }
0x5c: {  	_ =	shalt  }
0x5d: {  	_ =	shalt  }
0x5e: {  	_ =	shalt  }
0x5f: {  	_ =	shalt  }
0x60: {  	_ =	shalt  }
0x61: {  	_ =	shalt  }
0x62: {  	_ =	shalt  }
0x63: {  	_ =	shalt  }
0x64: {  	_ =	shalt  }
0x65: {  	_ =	shalt  }
0x66: {  	_ =	shalt  }
0x67: {  	_ =	shalt  }
0x68: {  	_ =	shalt  }
0x69: {  	_ =	shalt  }
0x6a: {  	_ =	shalt  }
0x6b: {  	_ =	shalt  }
0x6c: {  	_ =	shalt  }
0x6d: {  	_ =	shalt  }
0x6e: {  	_ =	shalt  }
0x6f: {  	_ =	shalt  }
0x70: {  	_ =	shalt  }
0x71: {  	_ =	shalt  }
0x72: {  	_ =	shalt  }
0x73: {  	_ =	shalt  }
0x74: {  	_ =	shalt  }
0x75: {  	_ =	shalt  }
0x76: {  	_ =	shalt  }
0x77: {  	_ =	shalt  }
0x78: {  	_ =	shalt  }
0x79: {  	_ =	shalt  }
0x7a: {  	_ =	shalt  }
0x7b: {  	_ =	shalt  }
0x7c: {  	_ =	shalt  }
0x7d: {  	_ =	shalt  }
0x7e: {  	_ =	shalt  }
0x7f: {  	_ =	shalt  }
0x80: {  	_ =	shalt  }
0x81: {  	_ =	shalt  }
0x82: {  	_ =	shalt  }
0x83: {  	_ =	shalt  }
0x84: {  	_ =	shalt  }
0x85: {  	_ =	shalt  }
0x86: {  	_ =	shalt  }
0x87: {  	_ =	shalt  }
.Lfunc_end0:
.L_simem_size_0:
called_computation_lowered:
.L_overlay_start_0:
0x88: {  	s2 =	sld [smem:$0x3FD9]  }
0x89: {  	s3 =	sld [smem:$0x3FFE];
	_ =	sdelay $0x1  }
0x8a: {  	s1 =	srdreg.scid  }
0x8b: {  	s0 =	sand.u32 $0x1, s1  }
0x8c: {  	s16 =	sshll.u32 s0, $0xA;
	s2 =	sadd.s32 s3, s2  }
0x8d: {  	s2 =	sadd.s32 s2, s16  }
0x8e: {  	[smem:$0x3FC3] =	sst s2  }
0x8f: {  	_ = 	snop  }
0x90: {  	(tm) =	ssettm $0x1  }
0x91: {  	s17 =	sld [smem:$0x3FFB];
	_ =	sdelay $0x3  }
0x92: {  	_ =	strace s17  }
0x93: {  	s2 =	sld [smem:$0x3FFC];
	_ =	sdelay $0x3  }
0x94: {  	_ =	strace s2  }
0x95: {  	s2 =	sld [smem:$0x3FFD];
	_ =	sdelay $0x3  }
0x96: {  	_ =	strace s2  }
0x97: {  	_ =	strace $0x8FFFFFFF  }
0x98: {  	s18 =	sld [smem:$0x3FDB];
	_ =	sdelay $0x1  }
0x99: {  	s19 =	simm.s32 $_scs_section_size  }
0x9a: {  	s4 =	simm.s32 $_size__tile_overlayer_lowered;
	s5 =	simm.s32 $_tile_overlayer_lowered  }
0x9b: {  	s22 =	simm.s32 $0x1BFF;
	s21 =	sshll.u32 s5, $0x1;
	s2 =	sadd.s32 s19, s18  }
0x9c: {  	s6 =	simm.s32 $0x0;
	s20 =	sshll.u32 s4, $0x1;
	s4 =	sadd.s32 s21, s2  }
0x9d: {  	[timem:s6], [sflag:s22] =	dma.local [hbm:s4], s20  }
0x9e: {  	_ =	swait.ge [sflag:s22], s20  }
0x9f: {  	s3 =	ssub.s32 $0x0, s20;
	[sflag:s22] =	ssyncset.done $0x0  }
0xa0: {  	[sflag:s22] =	ssyncadd.s32 s3;
	_ =	sdelay $0x1  }
0xa1: {  	s23 =	simm.s32 $0x1B8B  }
0xa2: {  	_ =	swait.ge [sflag:s23], $0x1  }
0xa3: {  	[sflag:s23] =	ssyncset.done $0x0  }
0xa4: {  	s25 =	simm.s32 $0x1B8E;
	s24 =	sld [smem:$0x3FFE];
	[sflag:s23] =	ssyncadd.s32 $0xFFFFFFFF  }
0xa5: {  	s26 =	simm.s32 $execute0_lowered;
	[smem:$0x3FD2] =	sst s25  }
0xa6: {  	s4 =	sshll.u32 s26, $0x1;
	_ =	strace $0x80000046;
	[dreg:$0x1] =	wrdreg $0xFFFFFFFF  }
0xa7: {  	s28 =	simm.s32 $_size_execute0_lowered;
	s2 =	sadd.s32 s2, s4;
	[dreg:$0x0] =	wrdreg $0x0  }
0xa8: {  	s4 =	sshll.u32 s28, $0x1;
	[dreg:$0x2] =	wrdreg s2  }
0xa9: {  	[dreg:$0x3] =	wrdreg s4  }
0xaa: {  	[dreg:$0x4] =	wrdreg $0xC0  }
0xab: {  	_ =	task [dreg:s6], $0x5FFFF  }
0xac: {  	[dreg:$0x1] =	wrdreg $0xFFFFFFFF  }
0xad: {  	[dreg:$0x0] =	wrdreg $0x60  }
0xae: {  	[dreg:$0x2] =	wrdreg s24  }
0xaf: {  	[dreg:$0x3] =	wrdreg $0x9  }
0xb0: {  	_ =	task.clear_ibuf [dreg:s6], $0x4FFFF;
	_ =	strace $0x90000046  }
0xb1: {  	s29 =	simm.s32 $0x9;
	_ =	strace $0x80000048  }
0xb2: {  	_ =	swait.ge [sflag:s29], $0x1  }
0xb3: {  	[sflag:s29] =	ssyncadd.s32 $0xFFFFFFFF  }
0xb4: {  	_ =	strace $0x90000048  }
0xb5: {  	_ =	sfence  }
0xb6: {  	s30 =	sld [smem:$0x0];
	_ =	sdelay $0x2  }
0xb7: {  	s31 =	sshll.u32 s1, $0xD;
	s1 =	sshrl.u32 s1, $0x2  }
0xb8: {  	s3 =	sand.u32 $0x4000, s31;
	s1 =	sadd.s32 s1, s30  }
0xb9: {  	s0 =	sor.u32 s3, s0;
	s1 =	sshll.u32 s1, $0x11  }
0xba: {  	s0 =	sor.u32 s1, s0  }
0xbb: {  	s0 =	sadd.s32 $0x8F2B, s0  }
0xbc: {  	[sflag:s0] =	ssyncadd.remote.s32 $0x1  }
0xbd: {  	_ =	sfence.sel $0xFFFF  }
0xbe: {  	[dreg:$0x0] =	wrdreg $0xFFFFFFFF;
	(pc) =	sbr.abs _section_cstart, $3  }
0xbf: {  	[dreg:$0x1] =	wrdreg $0xFFFFFFFF  }
0xc0: {  	_ =	task.clear_ibuf [dreg:s6], $0x2FFFF;
	_ =	strace $0x9FFFFFFF  }
0xc1: {  	(tm) =	ssettm $0x7FFFFFFF  }
tec
execute0_lowered:
.L_overlay_start_1:
0x0: {  	(tag) =	ssettag $0x1  }
0x1: {  	s0 =	rddreg [dreg:$0x0];
	s1 =	srdreg.scid  }
0x2: {  	s9 =	stileid.u32;
	s2 =	simm.s32 $0x0;
	s12 =	simm.s32 $0x4  }
0x3: {  	s13 =	simm.s32 $0x2000;
	s14 =	simm.s32 $0x80;
	s15 =	simm.s32 $0x4000  }
0x4: {  	s16 =	simm.s32 $0x8000;
	s17 =	simm.s32 $0x1;
	s20 =	simm.s32 $0xC000  }
0x5: {  	s22 =	simm.s32 $0x10000;
	s23 =	simm.s32 $0x2;
	s26 =	simm.s32 $0x3  }
0x6: {  	s30 =	simm.s32 $0x3E00;
	s31 =	simm.s32 $0x3E80;
	s18 =	simm.s32 $0x3F00  }
0x7: {  	s19 =	simm.s32 $0x3F80;
	s21 =	simm.s32 $0x0;
	s1 =	sand.u32 $0x1, s1  }
0x8: {  	s3 =	sshll.u32 s9, $0xE;
	[smem:$0x7FF] =	sst s2;
	s29 =	sshll.u32 s9, $0x12  }
0x9: {  	s4 =	sshll.u32 s1, $0xD;
	_ =	strace $0x80000047;
	s5 =	ssub.s32 $0x2, s1  }
0xa: {  	s1 =	sshll.u32 s1, $0x11;
	s6 =	sor.u32 s4, s3;
	s28 =	sshrl.u32 s5, $0x1  }
0xb: {  	s3 =	sadd.s32 $0x197C00, s0;
	s4 =	sshrl.u32 s6, $0x3;
	s8 =	ssub.s32 s5, s28  }
0xc: {  	s6 =	sshll.u32 s6, $0x4;
	s7 =	sadd.s32 s4, s0;
	s0 =	sadd.s32 $0x4A5000, s0  }
0xd: {  	s4 =	sadd.s32 $0x1200, s7;
	s5 =	sadd.s32 $0x9200, s7;
	s6 =	sadd.s32 s0, s6  }
0xe: {  	s0 =	sadd.s32 s29, s0;
	s7 =	smax.u32 s8, $0x1;
	s8 =	sadd.s32 $0x1000, s6  }
0xf: {  	s0 =	sadd.s32 s1, s0;
	s9 =	sadd.s32 $0x1E000, s6;
	s10 =	sadd.s32 $0x1F000, s6  }
0x10: {  	s1 =	simm.s32 $0x1F80;
	s11 =	sadd.s32 $0x2000, s0;
	s0 =	simm.s32 $0x1F00  }
.LBB2_1:
0x11: {  	[tilespmem:s2], [sflag:$0x4] =	stream.linear.gather [hbm4b:s4+s2], $0x2000, $0x38;
	[tilespmem:$0x14000] =	vst v63  }
0x12: {  	_ =	swait.ge [sflag:s12], $0x2000  }
0x13: {  	[sflag:s12] =	ssyncset.done $0x0  }
0x14: {  	[sflag:s12] =	ssyncadd.s32 $0xFFFFE000  }
0x15: {  	[tilespmem:s13], [sflag:$0x4] =	stream.linear.gather [hbm4b:s5+s2], $0x2000, $0x38;
	[tilespmem:$0x14000] =	vst v63  }
0x16: {  	_ =	swait.ge [sflag:s12], $0x2000  }
0x17: {  	[sflag:s12] =	ssyncset.done $0x0  }
0x18: {  	[sflag:s12] =	ssyncadd.s32 $0xFFFFE000  }
0x19: {  	[tilespmem:s15], [sflag:$0x1] =	stream.indirect.gather [hbm4b:s3+s14], $0x80, s2, s14, $0xb8;
	[tilespmem:$0x14000] =	vst v63  }
0x1a: {  	_ = 	snop  }
0x1b: {  	[tilespmem:s16], [sflag:$0x1] =	stream.indirect.gather [hbm4b:s3+s14], $0x80, s14, s14, $0xb8;
	[tilespmem:$0x14000] =	vst v63  }
0x1c: {  	_ =	swait.ge [sflag:s17], $0x4000  }
0x1d: {  	[sflag:s17] =	ssyncset.done $0x0  }
0x1e: {  	[sflag:s17] =	ssyncadd.s32 $0xFFFFC000  }
0x1f: {  	_ =	swait.ge [sflag:s17], $0x4000  }
0x20: {  	[sflag:s17] =	ssyncset.done $0x0  }
0x21: {  	[sflag:s17] =	ssyncadd.s32 $0xFFFFC000  }
0x22: {  	[tilespmem:s15], [sflag:$0x2] =	stream.indirect.gather.add.f32 [hbm:s3], $0x80, s13, s14, $0xb8;
	[tilespmem:$0x14000] =	vst v63  }
0x23: {  	s24 =	simm.s32 $0x2080  }
0x24: {  	[tilespmem:s16], [sflag:$0x2] =	stream.indirect.gather.add.f32 [hbm:s3], $0x80, s24, s14, $0xb8;
	[tilespmem:$0x14000] =	vst v63  }
0x25: {  	s25 =	simm.s32 $0x100  }
0x26: {  	[tilespmem:s20], [sflag:$0x1] =	stream.indirect.gather [hbm4b:s3+s14], $0x80, s25, s14, $0xb8;
	[tilespmem:$0x14000] =	vst v63  }
0x27: {  	s29 =	simm.s32 $0x180  }
0x28: {  	[tilespmem:s22], [sflag:$0x1] =	stream.indirect.gather [hbm4b:s3+s14], $0x80, s29, s14, $0xb8;
	[tilespmem:$0x14000] =	vst v63  }
0x29: {  	_ =	swait.ge [sflag:s23], $0x4000  }
0x2a: {  	[sflag:s23] =	ssyncset.done $0x0  }
0x2b: {  	[sflag:s23] =	ssyncadd.s32 $0xFFFFC000  }
0x2c: {  	_ =	swait.ge [sflag:s23], $0x4000  }
0x2d: {  	[sflag:s23] =	ssyncset.done $0x0  }
0x2e: {  	[sflag:s23] =	ssyncadd.s32 $0xFFFFC000  }
0x2f: {  	[hbm4b:s6+s2] =	stream.linear.scatter [tilespmem:s15], [sflag:$0x3], $0x8000, $0x38;
	[tilespmem:$0x14000] =	vst v63  }
0x30: {  	_ =	swait.ge [sflag:s17], $0x4000  }
0x31: {  	[sflag:s17] =	ssyncset.done $0x0  }
0x32: {  	[sflag:s17] =	ssyncadd.s32 $0xFFFFC000  }
0x33: {  	_ =	swait.ge [sflag:s17], $0x4000  }
0x34: {  	[sflag:s17] =	ssyncset.done $0x0  }
0x35: {  	s25 =	simm.s32 $0x2100;
	[sflag:s17] =	ssyncadd.s32 $0xFFFFC000  }
0x36: {  	[tilespmem:s20], [sflag:$0x2] =	stream.indirect.gather.add.f32 [hbm:s3], $0x80, s25, s14, $0xb8;
	[tilespmem:$0x14000] =	vst v63  }
0x37: {  	s29 =	simm.s32 $0x2180  }
0x38: {  	[tilespmem:s22], [sflag:$0x2] =	stream.indirect.gather.add.f32 [hbm:s3], $0x80, s29, s14, $0xb8;
	[tilespmem:$0x14000] =	vst v63  }
0x39: {  	_ =	swait.ge [sflag:s26], $0x8000  }
0x3a: {  	[sflag:s26] =	ssyncset.done $0x0  }
0x3b: {  	s25 =	simm.s32 $0x200;
	[sflag:s26] =	ssyncadd.s32 $0xFFFF8000  }
0x3c: {  	[tilespmem:s15], [sflag:$0x1] =	stream.indirect.gather [hbm4b:s3+s14], $0x80, s25, s14, $0xb8;
	[tilespmem:$0x14000] =	vst v63  }
0x3d: {  	s29 =	simm.s32 $0x280  }
0x3e: {  	[tilespmem:s16], [sflag:$0x1] =	stream.indirect.gather [hbm4b:s3+s14], $0x80, s29, s14, $0xb8;
	[tilespmem:$0x14000] =	vst v63  }
0x3f: {  	_ =	swait.ge [sflag:s23], $0x4000  }
0x40: {  	[sflag:s23] =	ssyncset.done $0x0  }
0x41: {  	[sflag:s23] =	ssyncadd.s32 $0xFFFFC000  }
0x42: {  	_ =	swait.ge [sflag:s23], $0x4000  }
0x43: {  	[sflag:s23] =	ssyncset.done $0x0  }
0x44: {  	[sflag:s23] =	ssyncadd.s32 $0xFFFFC000  }
0x45: {  	[hbm4b:s8+s2] =	stream.linear.scatter [tilespmem:s20], [sflag:$0x3], $0x8000, $0x38;
	[tilespmem:$0x14000] =	vst v63  }
0x46: {  	_ =	swait.ge [sflag:s17], $0x4000  }
0x47: {  	[sflag:s17] =	ssyncset.done $0x0  }
0x48: {  	[sflag:s17] =	ssyncadd.s32 $0xFFFFC000  }
0x49: {  	_ =	swait.ge [sflag:s17], $0x4000  }
0x4a: {  	[sflag:s17] =	ssyncset.done $0x0  }
0x4b: {  	s25 =	simm.s32 $0x2200;
	[sflag:s17] =	ssyncadd.s32 $0xFFFFC000  }
0x4c: {  	[tilespmem:s15], [sflag:$0x2] =	stream.indirect.gather.add.f32 [hbm:s3], $0x80, s25, s14, $0xb8;
	[tilespmem:$0x14000] =	vst v63  }
0x4d: {  	s29 =	simm.s32 $0x2280  }
0x4e: {  	[tilespmem:s16], [sflag:$0x2] =	stream.indirect.gather.add.f32 [hbm:s3], $0x80, s29, s14, $0xb8;
	[tilespmem:$0x14000] =	vst v63  }
0x4f: {  	_ =	swait.ge [sflag:s26], $0x8000  }
0x50: {  	[sflag:s26] =	ssyncset.done $0x0  }
0x51: {  	s25 =	simm.s32 $0x300;
	[sflag:s26] =	ssyncadd.s32 $0xFFFF8000  }
0x52: {  	[tilespmem:s20], [sflag:$0x1] =	stream.indirect.gather [hbm4b:s3+s14], $0x80, s25, s14, $0xb8;
	[tilespmem:$0x14000] =	vst v63  }
0x53: {  	s29 =	simm.s32 $0x380  }
0x54: {  	[tilespmem:s22], [sflag:$0x1] =	stream.indirect.gather [hbm4b:s3+s14], $0x80, s29, s14, $0xb8;
	[tilespmem:$0x14000] =	vst v63  }
0x55: {  	_ =	swait.ge [sflag:s23], $0x4000  }
0x56: {  	[sflag:s23] =	ssyncset.done $0x0  }
0x57: {  	[sflag:s23] =	ssyncadd.s32 $0xFFFFC000  }
0x58: {  	_ =	swait.ge [sflag:s23], $0x4000  }
0x59: {  	[sflag:s23] =	ssyncset.done $0x0  }
0x5a: {  	[sflag:s23] =	ssyncadd.s32 $0xFFFFC000  }
0x5b: {  	[hbm4b:s11+s2] =	stream.linear.scatter [tilespmem:s15], [sflag:$0x3], $0x8000, $0x38;
	[tilespmem:$0x14000] =	vst v63  }
0x5c: {  	_ =	swait.ge [sflag:s17], $0x4000  }
0x5d: {  	[sflag:s17] =	ssyncset.done $0x0  }
0x5e: {  	[sflag:s17] =	ssyncadd.s32 $0xFFFFC000  }
0x5f: {  	_ =	swait.ge [sflag:s17], $0x4000  }
0x60: {  	[sflag:s17] =	ssyncset.done $0x0  }
0x61: {  	s25 =	simm.s32 $0x2300;
	[sflag:s17] =	ssyncadd.s32 $0xFFFFC000  }
0x62: {  	[tilespmem:s20], [sflag:$0x2] =	stream.indirect.gather.add.f32 [hbm:s3], $0x80, s25, s14, $0xb8;
	[tilespmem:$0x14000] =	vst v63  }
0x63: {  	s29 =	simm.s32 $0x2380  }
0x64: {  	[tilespmem:s22], [sflag:$0x2] =	stream.indirect.gather.add.f32 [hbm:s3], $0x80, s29, s14, $0xb8;
	[tilespmem:$0x14000] =	vst v63  }
0x65: {  	_ =	swait.ge [sflag:s26], $0x8000  }
0x66: {  	[sflag:s26] =	ssyncset.done $0x0  }
0x67: {  	s25 =	simm.s32 $0x400;
	[sflag:s26] =	ssyncadd.s32 $0xFFFF8000  }
0x68: {  	[tilespmem:s15], [sflag:$0x1] =	stream.indirect.gather [hbm4b:s3+s14], $0x80, s25, s14, $0xb8;
	[tilespmem:$0x14000] =	vst v63  }
0x69: {  	s29 =	simm.s32 $0x480  }
0x6a: {  	[tilespmem:s16], [sflag:$0x1] =	stream.indirect.gather [hbm4b:s3+s14], $0x80, s29, s14, $0xb8;
	[tilespmem:$0x14000] =	vst v63  }
0x6b: {  	_ =	swait.ge [sflag:s23], $0x4000  }
0x6c: {  	[sflag:s23] =	ssyncset.done $0x0  }
0x6d: {  	[sflag:s23] =	ssyncadd.s32 $0xFFFFC000  }
0x6e: {  	_ =	swait.ge [sflag:s23], $0x4000  }
0x6f: {  	s28 =	sadd.s32 $0x1000, s11;
	[sflag:s23] =	ssyncset.done $0x0  }
0x70: {  	s24 =	simm.s32 $0x800;
	s25 =	sadd.s32 $0x2000, s11;
	[sflag:s23] =	ssyncadd.s32 $0xFFFFC000  }
.LBB2_2:
0x71: {  	[hbm4b:s28+s2] =	stream.linear.scatter [tilespmem:s20], [sflag:$0x3], $0x8000, $0x38;
	[tilespmem:$0x14000] =	vst v63  }
0x72: {  	s28 =	smov.u32 s24  }
0x73: {  	p0 =	sne.s32 s24, $0x6800;
	s24 =	sadd.s32 $0x800, s24;
	_ =	swait.ge [sflag:s17], $0x4000  }
0x74: {  	[sflag:s17] =	ssyncset.done $0x0  }
0x75: {  	[sflag:s17] =	ssyncadd.s32 $0xFFFFC000  }
0x76: {  	_ =	swait.ge [sflag:s17], $0x4000  }
0x77: {  	s28 =	sshra.s32 s28, $0x2;
	[sflag:s17] =	ssyncset.done $0x0  }
0x78: {  	s29 =	sadd.s32 $0x2200, s28;
	[sflag:s17] =	ssyncadd.s32 $0xFFFFC000  }
0x79: {  	[tilespmem:s15], [sflag:$0x2] =	stream.indirect.gather.add.f32 [hbm:s3], $0x80, s29, s14, $0xb8;
	[tilespmem:$0x14000] =	vst v63  }
0x7a: {  	s29 =	sadd.s32 $0x2280, s28  }
0x7b: {  	[tilespmem:s16], [sflag:$0x2] =	stream.indirect.gather.add.f32 [hbm:s3], $0x80, s29, s14, $0xb8;
	[tilespmem:$0x14000] =	vst v63  }
0x7c: {  	_ =	swait.ge [sflag:s26], $0x8000  }
0x7d: {  	[sflag:s26] =	ssyncset.done $0x0  }
0x7e: {  	s29 =	sadd.s32 $0x300, s28;
	[sflag:s26] =	ssyncadd.s32 $0xFFFF8000  }
0x7f: {  	[tilespmem:s20], [sflag:$0x1] =	stream.indirect.gather [hbm4b:s3+s14], $0x80, s29, s14, $0xb8;
	[tilespmem:$0x14000] =	vst v63  }
0x80: {  	s29 =	sadd.s32 $0x380, s28  }
0x81: {  	[tilespmem:s22], [sflag:$0x1] =	stream.indirect.gather [hbm4b:s3+s14], $0x80, s29, s14, $0xb8;
	[tilespmem:$0x14000] =	vst v63  }
0x82: {  	_ =	swait.ge [sflag:s23], $0x4000  }
0x83: {  	[sflag:s23] =	ssyncset.done $0x0  }
0x84: {  	[sflag:s23] =	ssyncadd.s32 $0xFFFFC000  }
0x85: {  	_ =	swait.ge [sflag:s23], $0x4000  }
0x86: {  	[sflag:s23] =	ssyncset.done $0x0  }
0x87: {  	[sflag:s23] =	ssyncadd.s32 $0xFFFFC000  }
0x88: {  	[hbm4b:s25+s2] =	stream.linear.scatter [tilespmem:s15], [sflag:$0x3], $0x8000, $0x38;
	[tilespmem:$0x14000] =	vst v63  }
0x89: {  	_ =	swait.ge [sflag:s17], $0x4000  }
0x8a: {  	[sflag:s17] =	ssyncset.done $0x0  }
0x8b: {  	[sflag:s17] =	ssyncadd.s32 $0xFFFFC000  }
0x8c: {  	_ =	swait.ge [sflag:s17], $0x4000  }
0x8d: {  	[sflag:s17] =	ssyncset.done $0x0  }
0x8e: {  	s29 =	sadd.s32 $0x2300, s28;
	[sflag:s17] =	ssyncadd.s32 $0xFFFFC000  }
0x8f: {  	[tilespmem:s20], [sflag:$0x2] =	stream.indirect.gather.add.f32 [hbm:s3], $0x80, s29, s14, $0xb8;
	[tilespmem:$0x14000] =	vst v63  }
0x90: {  	s29 =	sadd.s32 $0x2380, s28  }
0x91: {  	[tilespmem:s22], [sflag:$0x2] =	stream.indirect.gather.add.f32 [hbm:s3], $0x80, s29, s14, $0xb8;
	[tilespmem:$0x14000] =	vst v63  }
0x92: {  	_ =	swait.ge [sflag:s26], $0x8000  }
0x93: {  	[sflag:s26] =	ssyncset.done $0x0  }
0x94: {  	s29 =	sadd.s32 $0x400, s28;
	[sflag:s26] =	ssyncadd.s32 $0xFFFF8000  }
0x95: {  	[tilespmem:s15], [sflag:$0x1] =	stream.indirect.gather [hbm4b:s3+s14], $0x80, s29, s14, $0xb8;
	[tilespmem:$0x14000] =	vst v63  }
0x96: {  	s28 =	sadd.s32 $0x480, s28  }
0x97: {  	[tilespmem:s16], [sflag:$0x1] =	stream.indirect.gather [hbm4b:s3+s14], $0x80, s28, s14, $0xb8;
	[tilespmem:$0x14000] =	vst v63  }
0x98: {  	_ =	swait.ge [sflag:s23], $0x4000  }
.Ltmp0:
0x99: {  	[sflag:s23] =	ssyncset.done $0x0;
	(pc) =	sbr.rel @p0 .LBB2_2-.Ltmp0, $4  }
0x9a: {  	[sflag:s23] =	ssyncadd.s32 $0xFFFFC000  }
0x9b: {  	_ =	swait.ge [sflag:s23], $0x4000  }
0x9c: {  	[sflag:s23] =	ssyncset.done $0x0  }
0x9d: {  	s28 =	sadd.s32 $0x1000, s25;
	s25 =	sadd.s32 $0x2000, s25;
	[sflag:s23] =	ssyncadd.s32 $0xFFFFC000  }
0x9e: {  	[hbm4b:s28+s2] =	stream.linear.scatter [tilespmem:s20], [sflag:$0x3], $0x8000, $0x38;
	[tilespmem:$0x14000] =	vst v63  }
0x9f: {  	_ =	swait.ge [sflag:s17], $0x4000  }
0xa0: {  	[sflag:s17] =	ssyncset.done $0x0  }
0xa1: {  	[sflag:s17] =	ssyncadd.s32 $0xFFFFC000  }
0xa2: {  	_ =	swait.ge [sflag:s17], $0x4000  }
0xa3: {  	[sflag:s17] =	ssyncset.done $0x0  }
0xa4: {  	[sflag:s17] =	ssyncadd.s32 $0xFFFFC000  }
0xa5: {  	[tilespmem:s15], [sflag:$0x2] =	stream.indirect.gather.add.f32 [hbm:s3], $0x80, s30, s14, $0xb8;
	[tilespmem:$0x14000] =	vst v63  }
0xa6: {  	_ = 	snop  }
0xa7: {  	[tilespmem:s16], [sflag:$0x2] =	stream.indirect.gather.add.f32 [hbm:s3], $0x80, s31, s14, $0xb8;
	[tilespmem:$0x14000] =	vst v63  }
0xa8: {  	_ =	swait.ge [sflag:s26], $0x8000  }
0xa9: {  	[sflag:s26] =	ssyncset.done $0x0  }
0xaa: {  	[sflag:s26] =	ssyncadd.s32 $0xFFFF8000  }
0xab: {  	[tilespmem:s20], [sflag:$0x1] =	stream.indirect.gather [hbm4b:s3+s14], $0x80, s0, s14, $0xb8;
	[tilespmem:$0x14000] =	vst v63  }
0xac: {  	_ = 	snop  }
0xad: {  	[tilespmem:s22], [sflag:$0x1] =	stream.indirect.gather [hbm4b:s3+s14], $0x80, s1, s14, $0xb8;
	[tilespmem:$0x14000] =	vst v63  }
0xae: {  	_ =	swait.ge [sflag:s23], $0x4000  }
0xaf: {  	[sflag:s23] =	ssyncset.done $0x0  }
0xb0: {  	[sflag:s23] =	ssyncadd.s32 $0xFFFFC000  }
0xb1: {  	_ =	swait.ge [sflag:s23], $0x4000  }
0xb2: {  	[sflag:s23] =	ssyncset.done $0x0  }
0xb3: {  	[sflag:s23] =	ssyncadd.s32 $0xFFFFC000  }
0xb4: {  	[hbm4b:s9+s2] =	stream.linear.scatter [tilespmem:s15], [sflag:$0x3], $0x8000, $0x38;
	[tilespmem:$0x14000] =	vst v63  }
0xb5: {  	_ =	swait.ge [sflag:s17], $0x4000  }
0xb6: {  	[sflag:s17] =	ssyncset.done $0x0  }
0xb7: {  	[sflag:s17] =	ssyncadd.s32 $0xFFFFC000  }
0xb8: {  	_ =	swait.ge [sflag:s17], $0x4000  }
0xb9: {  	[sflag:s17] =	ssyncset.done $0x0  }
0xba: {  	[sflag:s17] =	ssyncadd.s32 $0xFFFFC000  }
0xbb: {  	[tilespmem:s20], [sflag:$0x2] =	stream.indirect.gather.add.f32 [hbm:s3], $0x80, s18, s14, $0xb8;
	[tilespmem:$0x14000] =	vst v63  }
0xbc: {  	_ = 	snop  }
0xbd: {  	[tilespmem:s22], [sflag:$0x2] =	stream.indirect.gather.add.f32 [hbm:s3], $0x80, s19, s14, $0xb8;
	[tilespmem:$0x14000] =	vst v63  }
0xbe: {  	_ =	swait.ge [sflag:s26], $0x8000  }
0xbf: {  	[sflag:s26] =	ssyncset.done $0x0  }
0xc0: {  	[sflag:s26] =	ssyncadd.s32 $0xFFFF8000  }
0xc1: {  	_ =	swait.ge [sflag:s23], $0x4000  }
0xc2: {  	[sflag:s23] =	ssyncset.done $0x0  }
0xc3: {  	[sflag:s23] =	ssyncadd.s32 $0xFFFFC000  }
0xc4: {  	s21 =	sadd.s32 $0x1, s21;
	_ =	swait.ge [sflag:s23], $0x4000  }
0xc5: {  	p0 =	sne.s32 s21, s7;
	[sflag:s23] =	ssyncset.done $0x0  }
.Ltmp1:
0xc6: {  	[sflag:s23] =	ssyncadd.s32 $0xFFFFC000;
	(pc) =	sbr.rel @p0 .LBB2_1-.Ltmp1, $4  }
0xc7: {  	[hbm4b:s10+s2] =	stream.linear.scatter [tilespmem:s20], [sflag:$0x3], $0x8000, $0x38;
	[tilespmem:$0x14000] =	vst v63  }
0xc8: {  	_ =	swait.ge [sflag:s26], $0x8000  }
0xc9: {  	[sflag:s26] =	ssyncset.done $0x0  }
0xca: {  	[sflag:s26] =	ssyncadd.s32 $0xFFFF8000  }
0xcb: {  	_ =	sfence.sel $0x180000  }
0xcc: {  	[bflag:$0x0] =	sbarrier.arrive $0xFFFF  }
0xcd: {  	_ =	strace $0x90000047  }
0xce: {  	s0 =	stileid.u32;
	[bflag:$0x2] =	sbarrier.arrive $0xFFFF  }
0xcf: {  	p0 =	sne.s32 s0, $0x0;
	s0 =	rddreg [dreg:$0x1]  }
0xd0: {  	s0 =	sadd.s32 @!p0 $0x100000, s0  }
0xd1: {  	[sflag:s0] =	ssyncadd.tile.s32 @!p0 $0x1;
	_ =	shalt  }
.Lfunc_end2:
_tile_overlayer_lowered:
.L_overlay_start_2:
0xd2: {  	(tag) =	ssettag $0x2  }
0xd3: {  	s0 =	rddreg [dreg:$0x0];
	s2 =	stileid.u32  }
0xd4: {  	s1 =	rddreg [dreg:$0x1];
	p0 =	sne.s32 s2, $0x0  }
0xd5: {  	s3 =	rddreg [dreg:$0x2];
	[bflag:$0x3] =	sbarrier.arrive $0xFFFF;
	s2 =	simm.s32 @!p0 $0x1C04  }
0xd6: {  	[timem:s3], [sflag:s2] =	dma.local @!p0 [hbm:s0], s1  }
0xd7: {  	s0 =	simm.s32 @!p0 $0x4  }
0xd8: {  	_ =	swait.ge @!p0 [sflag:s0], s1  }
0xd9: {  	s1 =	ssub.s32 @!p0 $0x0, s1;
	[sflag:s0] =	ssyncset.done @!p0 $0x0  }
0xda: {  	[sflag:s0] =	ssyncadd.s32 @!p0 s1  }
0xdb: {  	[bflag:$0x3] =	sbarrier.arrive $0xFFFF  }
0xdc: {  	_ =	shalt  }

// kernel: kernel.9.cloned.1.call-start
scs
__scs_entry_jumppad:
0x0: {  	(pc) =	sbr.rel $0x88, $3  }
0x1: {  	(tag) =	ssettag $0x0;
	lr =	simm.s32 $0x1  }
0x2: {  	[smem:$0x3F9C] =	sst lr;
	_ =	strace $0xD0000000  }
0x3: {  	_ = 	snop  }
0x4: {  	_ = 	snop  }
0x5: {  	_ = 	snop  }
0x6: {  	_ = 	snop  }
0x7: {  	_ = 	snop  }
__scs_overlays_trampoline_lowered:
0x8: {  	[smem:$0x3FAB] =	sst s0  }
0x9: {  	[smem:$0x3FAC] =	sst s1  }
0xa: {  	[smem:$0x3FAD] =	sst s2  }
0xb: {  	[smem:$0x3FAE] =	sst s3  }
0xc: {  	[smem:$0x3FAF] =	sst s4  }
0xd: {  	[smem:$0x3FB0] =	sst s5  }
0xe: {  	[smem:$0x3FB1] =	sst s6  }
0xf: {  	[smem:$0x3FB2] =	sst s7  }
0x10: {  	[smem:$0x3FB3] =	sst s8  }
0x11: {  	[smem:$0x3FB4] =	sst s9;
	s0 =	simm.s32 @!p0 $0x0  }
0x12: {  	s1 =	sld [smem:$0x3F9A];
	s0 =	simm.s32 @p0 $0x1  }
0x13: {  	[smem:$0x3FB5] =	sst s0;
	s0 =	simm.s32 @!p1 $0x0  }
0x14: {  	s2 =	sld [smem:$0x3F99];
	s0 =	simm.s32 @p1 $0x1  }
0x15: {  	[smem:$0x3FB6] =	sst s0;
	s0 =	simm.s32 @!p2 $0x0  }
0x16: {  	s3 =	sld [smem:$0x3FDB];
	s0 =	simm.s32 @p2 $0x1  }
0x17: {  	s4 =	simm.s32 $0x1BF5;
	[smem:$0x3FB8] =	sst s0  }
0x18: {  	s0 =	sld [smem:$0x3F9B];
	_ =	swait.ge [sflag:s4], $0x0  }
0x19: {  	s7 =	sld [smem:$0x3F9C]  }
0x1a: {  	s8 =	sadd.s32 $0xFFFFE003, lr  }
0x1b: {  	s9 =	sadd.s32 $0xFFFFFEF7, lr;
	s5 =	simm.s32 $0xFFFFFFFF;
	p2 =	slt.u32 s8, $0xFFFFF086  }
0x1c: {  	p1 =	slt.u32 s9, $0xF7A;
	s5 =	simm.s32 @!p2 $0x0  }
0x1d: {  	s5 =	simm.s32 @p1 $0x1;
	p0 =	seq.s32 s7, s2  }
0x1e: {  	s7 =	smul.u32 @!p0 $0xF7A, s2;
	p2 =	seq.s32 @!p0 s5, $0x0  }
0x1f: {  	s9 =	smul.u32 $0xF7A, s1;
	s8 =	simm.s32 @!p0 $0x1BF5;
	p2 =	por !p2, p0  }
0x20: {  	[sflag:s8] =	ssyncset.s32 @!p0 $0xFFFFF086;
	s6 =	sadd.s32 @!p0 s3, s7;
	s7 =	simm.s32 @!p0 $0x108  }
0x21: {  	s3 =	sadd.s32 s3, s9;
	s6 =	sadd.s32 @!p0 $0x88, s6;
	s7 =	simm.s32 @p2 $0x1082  }
0x22: {  	[simem:s7], [sflag:s8] =	dma.local @!p0 [hbm:s6], $0xF7A  }
0x23: {  	s9 =	sor.u32 $0xD0000000, s2;
	s6 =	simm.s32 $0x108;
	_ =	swait.ge @!p0 [sflag:s8], $0x0  }
0x24: {  	s3 =	sadd.s32 $0x88, s3;
	s6 =	simm.s32 @!p1 $0x1082;
	[sflag:s4] =	ssyncset.s32 $0xFFFFF086  }
0x25: {  	[simem:s6], [sflag:s4] =	dma.local [hbm:s3], $0xF7A  }
0x26: {  	[smem:$0x3F9C] =	sst s1;
	(tag) =	ssettag s2;
	_ =	strace s9  }
0x27: {  	s1 =	sld [smem:$0x3FAC]  }
0x28: {  	s2 =	sld [smem:$0x3FAD]  }
0x29: {  	s4 =	sld [smem:$0x3FAF]  }
0x2a: {  	p0 =	seq.s32 s5, $0x0;
	s5 =	sld [smem:$0x3FB0]  }
0x2b: {  	s6 =	sld [smem:$0x3FB1]  }
0x2c: {  	s7 =	sld [smem:$0x3FB2]  }
0x2d: {  	s3 =	simm.s32 $0x108;
	s8 =	sld [smem:$0x3FB3]  }
0x2e: {  	s3 =	simm.s32 @!p0 $0x1082;
	s9 =	sld [smem:$0x3FB4]  }
0x2f: {  	lr =	sadd.s32 s0, s3;
	s0 =	sld [smem:$0x3FAB]  }
0x30: {  	s3 =	sld [smem:$0x3FAE]  }
0x31: {  	[smem:$0x3FB7] =	sst s10  }
0x32: {  	s10 =	sld [smem:$0x3FB5];
	_ =	sdelay $0x3  }
0x33: {  	p0 =	seq.s32 s10, $0x1;
	s10 =	sld [smem:$0x3FB7];
	_ =	sdelay $0x3  }
0x34: {  	[smem:$0x3FB7] =	sst s10  }
0x35: {  	s10 =	sld [smem:$0x3FB6];
	_ =	sdelay $0x3  }
0x36: {  	p1 =	seq.s32 s10, $0x1;
	s10 =	sld [smem:$0x3FB7];
	_ =	sdelay $0x3  }
0x37: {  	[smem:$0x3FB7] =	sst s10  }
0x38: {  	s10 =	sld [smem:$0x3FB8]  }
0x39: {  	_ = 	snop;
	(pc) =	sbr.ind lr, $3  }
0x3a: {  	_ = 	snop  }
0x3b: {  	_ = 	snop  }
0x3c: {  	p2 =	seq.s32 s10, $0x1;
	s10 =	sld [smem:$0x3FB7]  }
0x3d: {  	_ =	shalt  }
0x3e: {  	_ =	shalt  }
0x3f: {  	_ =	shalt  }
0x40: {  	_ =	shalt  }
0x41: {  	_ =	shalt  }
0x42: {  	_ =	shalt  }
0x43: {  	_ =	shalt  }
0x44: {  	_ =	shalt  }
0x45: {  	_ =	shalt  }
0x46: {  	_ =	shalt  }
0x47: {  	_ =	shalt  }
0x48: {  	_ =	shalt  }
0x49: {  	_ =	shalt  }
0x4a: {  	_ =	shalt  }
0x4b: {  	_ =	shalt  }
0x4c: {  	_ =	shalt  }
0x4d: {  	_ =	shalt  }
0x4e: {  	_ =	shalt  }
0x4f: {  	_ =	shalt  }
0x50: {  	_ =	shalt  }
0x51: {  	_ =	shalt  }
0x52: {  	_ =	shalt  }
0x53: {  	_ =	shalt  }
0x54: {  	_ =	shalt  }
0x55: {  	_ =	shalt  }
0x56: {  	_ =	shalt  }
0x57: {  	_ =	shalt  }
0x58: {  	_ =	shalt  }
0x59: {  	_ =	shalt  }
0x5a: {  	_ =	shalt  }
0x5b: {  	_ =	shalt  }
0x5c: {  	_ =	shalt  }
0x5d: {  	_ =	shalt  }
0x5e: {  	_ =	shalt  }
0x5f: {  	_ =	shalt  }
0x60: {  	_ =	shalt  }
0x61: {  	_ =	shalt  }
0x62: {  	_ =	shalt  }
0x63: {  	_ =	shalt  }
0x64: {  	_ =	shalt  }
0x65: {  	_ =	shalt  }
0x66: {  	_ =	shalt  }
0x67: {  	_ =	shalt  }
0x68: {  	_ =	shalt  }
0x69: {  	_ =	shalt  }
0x6a: {  	_ =	shalt  }
0x6b: {  	_ =	shalt  }
0x6c: {  	_ =	shalt  }
0x6d: {  	_ =	shalt  }
0x6e: {  	_ =	shalt  }
0x6f: {  	_ =	shalt  }
0x70: {  	_ =	shalt  }
0x71: {  	_ =	shalt  }
0x72: {  	_ =	shalt  }
0x73: {  	_ =	shalt  }
0x74: {  	_ =	shalt  }
0x75: {  	_ =	shalt  }
0x76: {  	_ =	shalt  }
0x77: {  	_ =	shalt  }
0x78: {  	_ =	shalt  }
0x79: {  	_ =	shalt  }
0x7a: {  	_ =	shalt  }
0x7b: {  	_ =	shalt  }
0x7c: {  	_ =	shalt  }
0x7d: {  	_ =	shalt  }
0x7e: {  	_ =	shalt  }
0x7f: {  	_ =	shalt  }
0x80: {  	_ =	shalt  }
0x81: {  	_ =	shalt  }
0x82: {  	_ =	shalt  }
0x83: {  	_ =	shalt  }
0x84: {  	_ =	shalt  }
0x85: {  	_ =	shalt  }
0x86: {  	_ =	shalt  }
0x87: {  	_ =	shalt  }
.Lfunc_end0:
.L_simem_size_0:
called_computation.1_lowered:
.L_overlay_start_0:
0x88: {  	s2 =	sld [smem:$0x3FD9]  }
0x89: {  	s3 =	sld [smem:$0x3FFE];
	_ =	sdelay $0x1  }
0x8a: {  	s1 =	srdreg.scid  }
0x8b: {  	s0 =	sand.u32 $0x1, s1  }
0x8c: {  	s17 =	sshll.u32 s0, $0xA;
	s2 =	sadd.s32 s3, s2  }
0x8d: {  	s2 =	sadd.s32 s2, s17  }
0x8e: {  	[smem:$0x3FC3] =	sst s2  }
0x8f: {  	_ = 	snop  }
0x90: {  	s18 =	sld [smem:$0x3FD0];
	(tm) =	ssettm $0x1  }
0x91: {  	s19 =	sld [smem:$0x3FFB];
	_ =	sdelay $0x3  }
0x92: {  	_ =	strace s19  }
0x93: {  	s2 =	sld [smem:$0x3FFC];
	_ =	sdelay $0x3  }
0x94: {  	_ =	strace s2  }
0x95: {  	s2 =	sld [smem:$0x3FFD];
	_ =	sdelay $0x3  }
0x96: {  	_ =	strace s2  }
0x97: {  	_ =	strace $0x8FFFFFFF  }
0x98: {  	s20 =	sld [smem:$0x3FDB];
	_ =	sdelay $0x1  }
0x99: {  	s4 =	simm.s32 $_scs_section_size  }
0x9a: {  	s5 =	simm.s32 $_size__tile_overlayer_lowered;
	s6 =	simm.s32 $_tile_overlayer_lowered  }
0x9b: {  	s7 =	simm.s32 $0x1BFF;
	s21 =	sshll.u32 s6, $0x1;
	s4 =	sadd.s32 s4, s20  }
0x9c: {  	s22 =	simm.s32 $0x0;
	s5 =	sshll.u32 s5, $0x1;
	s6 =	sadd.s32 s21, s4  }
0x9d: {  	[timem:s22], [sflag:s7] =	dma.local [hbm:s6], s5  }
0x9e: {  	_ =	swait.ge [sflag:s7], s5  }
0x9f: {  	s5 =	ssub.s32 $0x0, s5;
	[sflag:s7] =	ssyncset.done $0x0  }
0xa0: {  	[sflag:s7] =	ssyncadd.s32 s5;
	_ =	sdelay $0x1  }
0xa1: {  	s23 =	simm.s32 $0x1B8B  }
0xa2: {  	_ =	swait.ge [sflag:s23], $0x1  }
0xa3: {  	[sflag:s23] =	ssyncset.done $0x0  }
0xa4: {  	[sflag:s23] =	ssyncadd.s32 $0xFFFFFFFF  }
0xa5: {  	s5 =	sld [smem:$0x0]  }
0xa6: {  	s6 =	sand.u32 $0xFFFFFFFE, s1  }
0xa7: {  	p0 =	sne.s32 s1, s6  }
0xa8: {  	s6 =	sshll.u32 @p0 s6, $0xE  }
0xa9: {  	s6 =	sadd.s32 @p0 $0x11B8D, s6;
	s7 =	sshll.u32 @p0 s5, $0x11  }
0xaa: {  	s6 =	sor.u32 @p0 s7, s6  }
0xab: {  	[sflag:s6] =	ssyncadd.remote.s32 @p0 $0x1;
	_ =	sdelay $0x1  }
0xac: {  	s6 =	simm.s32 @p0 $0x1B8D  }
0xad: {  	_ =	swait.eq @p0 [sflag:s6], $0x1  }
0xae: {  	[sflag:s6] =	ssyncadd.s32 @p0 $0xFFFFFFFF  }
0xaf: {  	s7 =	sshll.u32 @!p0 s1, $0xE  }
0xb0: {  	s7 =	sor.u32 @!p0 $0x4000, s7;
	s6 =	simm.s32 @!p0 $0x1B8D  }
0xb1: {  	s5 =	sshll.u32 @!p0 s5, $0x11;
	s7 =	sadd.s32 @!p0 $0x11B8D, s7;
	_ =	swait.eq @!p0 [sflag:s6], $0x1  }
0xb2: {  	s5 =	sor.u32 @!p0 s5, s7;
	[sflag:s6] =	ssyncadd.s32 @!p0 $0xFFFFFFFF  }
0xb3: {  	s25 =	simm.s32 $0x1B8E;
	s24 =	sld [smem:$0x3FFE];
	[sflag:s5] =	ssyncadd.remote.s32 @!p0 $0x1  }
0xb4: {  	s26 =	simm.s32 $execute0_lowered;
	[smem:$0x3FD2] =	sst s25  }
0xb5: {  	s6 =	sshll.u32 s26, $0x1;
	_ =	strace $0x80000049;
	[dreg:$0x1] =	wrdreg $0xFFFFFFFF  }
0xb6: {  	s28 =	simm.s32 $_size_execute0_lowered;
	s4 =	sadd.s32 s4, s6;
	[dreg:$0x0] =	wrdreg $0x0  }
0xb7: {  	s6 =	sshll.u32 s28, $0x1;
	[dreg:$0x2] =	wrdreg s4  }
0xb8: {  	[dreg:$0x3] =	wrdreg s6  }
0xb9: {  	[dreg:$0x4] =	wrdreg $0xC0  }
0xba: {  	_ =	task [dreg:s22], $0x5FFFF  }
0xbb: {  	[dreg:$0x1] =	wrdreg $0xFFFFFFFF  }
0xbc: {  	[dreg:$0x0] =	wrdreg $0x60  }
0xbd: {  	[dreg:$0x2] =	wrdreg s24  }
0xbe: {  	[dreg:$0x3] =	wrdreg s18  }
0xbf: {  	[dreg:$0x4] =	wrdreg $0xA  }
0xc0: {  	_ =	task.clear_ibuf [dreg:s22], $0x5FFFF;
	_ =	strace $0x90000049  }
0xc1: {  	s29 =	simm.s32 $0xA;
	_ =	strace $0x8000004B  }
0xc2: {  	_ =	swait.ge [sflag:s29], $0x1  }
0xc3: {  	[sflag:s29] =	ssyncadd.s32 $0xFFFFFFFF  }
0xc4: {  	_ =	strace $0x9000004B  }
0xc5: {  	_ =	sfence  }
0xc6: {  	s30 =	sld [smem:$0x0];
	_ =	sdelay $0x2  }
0xc7: {  	s31 =	sshll.u32 s1, $0xD;
	s1 =	sshrl.u32 s1, $0x2  }
0xc8: {  	s4 =	sand.u32 $0x4000, s31;
	s1 =	sadd.s32 s1, s30  }
0xc9: {  	s0 =	sor.u32 s4, s0;
	s1 =	sshll.u32 s1, $0x11  }
0xca: {  	s0 =	sor.u32 s1, s0  }
0xcb: {  	s0 =	sadd.s32 $0x8F2B, s0  }
0xcc: {  	[sflag:s0] =	ssyncadd.remote.s32 $0x1  }
0xcd: {  	_ =	sfence.sel $0xFFFF  }
0xce: {  	[dreg:$0x0] =	wrdreg $0xFFFFFFFF;
	(pc) =	sbr.abs _section_cstart, $3  }
0xcf: {  	[dreg:$0x1] =	wrdreg $0xFFFFFFFF  }
0xd0: {  	_ =	task.clear_ibuf [dreg:s22], $0x2FFFF;
	_ =	strace $0x9FFFFFFF  }
0xd1: {  	(tm) =	ssettm $0x7FFFFFFF  }
tec
execute0_lowered:
.L_overlay_start_1:
0x0: {  	(tag) =	ssettag $0x1  }
0x1: {  	s0 =	rddreg [dreg:$0x0]  }
0x2: {  	s1 =	rddreg [dreg:$0x1];
	s2 =	srdreg.scid  }
0x3: {  	s10 =	stileid.u32;
	s12 =	simm.s32 $0x4;
	s13 =	simm.s32 $0x2000  }
0x4: {  	s14 =	simm.s32 $0x80;
	s15 =	simm.s32 $0x4000;
	s16 =	simm.s32 $0x8000  }
0x5: {  	s17 =	simm.s32 $0x1;
	s20 =	simm.s32 $0xC000;
	s22 =	simm.s32 $0x10000  }
0x6: {  	s23 =	simm.s32 $0x2;
	s30 =	simm.s32 $0x3E00;
	s31 =	simm.s32 $0x3E80  }
0x7: {  	s18 =	simm.s32 $0x3F00;
	s19 =	simm.s32 $0x3F80;
	s21 =	simm.s32 $0x0  }
0x8: {  	s7 =	sand.u32 $0x1, s2;
	s2 =	simm.s32 $0x0;
	s3 =	sshll.u32 s10, $0xE  }
0x9: {  	s28 =	sshll.u32 s10, $0x12;
	s4 =	sshll.u32 s7, $0xD;
	[smem:$0x7FF] =	sst s2  }
0xa: {  	s5 =	ssub.s32 $0x2, s7;
	s29 =	sshll.u32 s7, $0x11;
	s6 =	sor.u32 s4, s3  }
0xb: {  	_ =	strace $0x8000004A;
	s3 =	sadd.s32 $0x197C00, s0;
	s9 =	sshrl.u32 s5, $0x1  }
0xc: {  	s4 =	sshrl.u32 s6, $0x3;
	s9 =	ssub.s32 s5, s9;
	s26 =	sshll.u32 s6, $0x4  }
0xd: {  	s8 =	sadd.s32 s4, s0;
	s0 =	sadd.s32 $0x8A5000, s0;
	s4 =	sadd.s32 s1, s4  }
0xe: {  	s7 =	smax.u32 s9, $0x1;
	s1 =	simm.s32 $0x1F80;
	s5 =	sadd.s32 $0x11200, s8  }
0xf: {  	s6 =	sadd.s32 s0, s26;
	s0 =	sadd.s32 s28, s0;
	s26 =	simm.s32 $0x3  }
0x10: {  	s8 =	sadd.s32 $0x1000, s6;
	s0 =	sadd.s32 s29, s0;
	s9 =	sadd.s32 $0x1E000, s6  }
0x11: {  	s10 =	sadd.s32 $0x1F000, s6;
	s11 =	sadd.s32 $0x2000, s0;
	s0 =	simm.s32 $0x1F00  }
.LBB2_1:
0x12: {  	[tilespmem:s2], [sflag:$0x4] =	stream.linear.gather [hbm4b:s4+s2], $0x2000, $0x38;
	[tilespmem:$0x14000] =	vst v63  }
0x13: {  	_ =	swait.ge [sflag:s12], $0x2000  }
0x14: {  	[sflag:s12] =	ssyncset.done $0x0  }
0x15: {  	[sflag:s12] =	ssyncadd.s32 $0xFFFFE000  }
0x16: {  	[tilespmem:s13], [sflag:$0x4] =	stream.linear.gather [hbm4b:s5+s2], $0x2000, $0x38;
	[tilespmem:$0x14000] =	vst v63  }
0x17: {  	_ =	swait.ge [sflag:s12], $0x2000  }
0x18: {  	[sflag:s12] =	ssyncset.done $0x0  }
0x19: {  	[sflag:s12] =	ssyncadd.s32 $0xFFFFE000  }
0x1a: {  	[tilespmem:s15], [sflag:$0x1] =	stream.indirect.gather [hbm4b:s3+s14], $0x80, s2, s14, $0xb8;
	[tilespmem:$0x14000] =	vst v63  }
0x1b: {  	_ = 	snop  }
0x1c: {  	[tilespmem:s16], [sflag:$0x1] =	stream.indirect.gather [hbm4b:s3+s14], $0x80, s14, s14, $0xb8;
	[tilespmem:$0x14000] =	vst v63  }
0x1d: {  	_ =	swait.ge [sflag:s17], $0x4000  }
0x1e: {  	[sflag:s17] =	ssyncset.done $0x0  }
0x1f: {  	[sflag:s17] =	ssyncadd.s32 $0xFFFFC000  }
0x20: {  	_ =	swait.ge [sflag:s17], $0x4000  }
0x21: {  	[sflag:s17] =	ssyncset.done $0x0  }
0x22: {  	[sflag:s17] =	ssyncadd.s32 $0xFFFFC000  }
0x23: {  	[tilespmem:s15], [sflag:$0x2] =	stream.indirect.gather.add.f32 [hbm:s3], $0x80, s13, s14, $0xb8;
	[tilespmem:$0x14000] =	vst v63  }
0x24: {  	s24 =	simm.s32 $0x2080  }
0x25: {  	[tilespmem:s16], [sflag:$0x2] =	stream.indirect.gather.add.f32 [hbm:s3], $0x80, s24, s14, $0xb8;
	[tilespmem:$0x14000] =	vst v63  }
0x26: {  	s25 =	simm.s32 $0x100  }
0x27: {  	[tilespmem:s20], [sflag:$0x1] =	stream.indirect.gather [hbm4b:s3+s14], $0x80, s25, s14, $0xb8;
	[tilespmem:$0x14000] =	vst v63  }
0x28: {  	s29 =	simm.s32 $0x180  }
0x29: {  	[tilespmem:s22], [sflag:$0x1] =	stream.indirect.gather [hbm4b:s3+s14], $0x80, s29, s14, $0xb8;
	[tilespmem:$0x14000] =	vst v63  }
0x2a: {  	_ =	swait.ge [sflag:s23], $0x4000  }
0x2b: {  	[sflag:s23] =	ssyncset.done $0x0  }
0x2c: {  	[sflag:s23] =	ssyncadd.s32 $0xFFFFC000  }
0x2d: {  	_ =	swait.ge [sflag:s23], $0x4000  }
0x2e: {  	[sflag:s23] =	ssyncset.done $0x0  }
0x2f: {  	[sflag:s23] =	ssyncadd.s32 $0xFFFFC000  }
0x30: {  	[hbm4b:s6+s2] =	stream.linear.scatter [tilespmem:s15], [sflag:$0x3], $0x8000, $0x38;
	[tilespmem:$0x14000] =	vst v63  }
0x31: {  	_ =	swait.ge [sflag:s17], $0x4000  }
0x32: {  	[sflag:s17] =	ssyncset.done $0x0  }
0x33: {  	[sflag:s17] =	ssyncadd.s32 $0xFFFFC000  }
0x34: {  	_ =	swait.ge [sflag:s17], $0x4000  }
0x35: {  	[sflag:s17] =	ssyncset.done $0x0  }
0x36: {  	s25 =	simm.s32 $0x2100;
	[sflag:s17] =	ssyncadd.s32 $0xFFFFC000  }
0x37: {  	[tilespmem:s20], [sflag:$0x2] =	stream.indirect.gather.add.f32 [hbm:s3], $0x80, s25, s14, $0xb8;
	[tilespmem:$0x14000] =	vst v63  }
0x38: {  	s29 =	simm.s32 $0x2180  }
0x39: {  	[tilespmem:s22], [sflag:$0x2] =	stream.indirect.gather.add.f32 [hbm:s3], $0x80, s29, s14, $0xb8;
	[tilespmem:$0x14000] =	vst v63  }
0x3a: {  	_ =	swait.ge [sflag:s26], $0x8000  }
0x3b: {  	[sflag:s26] =	ssyncset.done $0x0  }
0x3c: {  	s25 =	simm.s32 $0x200;
	[sflag:s26] =	ssyncadd.s32 $0xFFFF8000  }
0x3d: {  	[tilespmem:s15], [sflag:$0x1] =	stream.indirect.gather [hbm4b:s3+s14], $0x80, s25, s14, $0xb8;
	[tilespmem:$0x14000] =	vst v63  }
0x3e: {  	s29 =	simm.s32 $0x280  }
0x3f: {  	[tilespmem:s16], [sflag:$0x1] =	stream.indirect.gather [hbm4b:s3+s14], $0x80, s29, s14, $0xb8;
	[tilespmem:$0x14000] =	vst v63  }
0x40: {  	_ =	swait.ge [sflag:s23], $0x4000  }
0x41: {  	[sflag:s23] =	ssyncset.done $0x0  }
0x42: {  	[sflag:s23] =	ssyncadd.s32 $0xFFFFC000  }
0x43: {  	_ =	swait.ge [sflag:s23], $0x4000  }
0x44: {  	[sflag:s23] =	ssyncset.done $0x0  }
0x45: {  	[sflag:s23] =	ssyncadd.s32 $0xFFFFC000  }
0x46: {  	[hbm4b:s8+s2] =	stream.linear.scatter [tilespmem:s20], [sflag:$0x3], $0x8000, $0x38;
	[tilespmem:$0x14000] =	vst v63  }
0x47: {  	_ =	swait.ge [sflag:s17], $0x4000  }
0x48: {  	[sflag:s17] =	ssyncset.done $0x0  }
0x49: {  	[sflag:s17] =	ssyncadd.s32 $0xFFFFC000  }
0x4a: {  	_ =	swait.ge [sflag:s17], $0x4000  }
0x4b: {  	[sflag:s17] =	ssyncset.done $0x0  }
0x4c: {  	s25 =	simm.s32 $0x2200;
	[sflag:s17] =	ssyncadd.s32 $0xFFFFC000  }
0x4d: {  	[tilespmem:s15], [sflag:$0x2] =	stream.indirect.gather.add.f32 [hbm:s3], $0x80, s25, s14, $0xb8;
	[tilespmem:$0x14000] =	vst v63  }
0x4e: {  	s29 =	simm.s32 $0x2280  }
0x4f: {  	[tilespmem:s16], [sflag:$0x2] =	stream.indirect.gather.add.f32 [hbm:s3], $0x80, s29, s14, $0xb8;
	[tilespmem:$0x14000] =	vst v63  }
0x50: {  	_ =	swait.ge [sflag:s26], $0x8000  }
0x51: {  	[sflag:s26] =	ssyncset.done $0x0  }
0x52: {  	s25 =	simm.s32 $0x300;
	[sflag:s26] =	ssyncadd.s32 $0xFFFF8000  }
0x53: {  	[tilespmem:s20], [sflag:$0x1] =	stream.indirect.gather [hbm4b:s3+s14], $0x80, s25, s14, $0xb8;
	[tilespmem:$0x14000] =	vst v63  }
0x54: {  	s29 =	simm.s32 $0x380  }
0x55: {  	[tilespmem:s22], [sflag:$0x1] =	stream.indirect.gather [hbm4b:s3+s14], $0x80, s29, s14, $0xb8;
	[tilespmem:$0x14000] =	vst v63  }
0x56: {  	_ =	swait.ge [sflag:s23], $0x4000  }
0x57: {  	[sflag:s23] =	ssyncset.done $0x0  }
0x58: {  	[sflag:s23] =	ssyncadd.s32 $0xFFFFC000  }
0x59: {  	_ =	swait.ge [sflag:s23], $0x4000  }
0x5a: {  	[sflag:s23] =	ssyncset.done $0x0  }
0x5b: {  	[sflag:s23] =	ssyncadd.s32 $0xFFFFC000  }
0x5c: {  	[hbm4b:s11+s2] =	stream.linear.scatter [tilespmem:s15], [sflag:$0x3], $0x8000, $0x38;
	[tilespmem:$0x14000] =	vst v63  }
0x5d: {  	_ =	swait.ge [sflag:s17], $0x4000  }
0x5e: {  	[sflag:s17] =	ssyncset.done $0x0  }
0x5f: {  	[sflag:s17] =	ssyncadd.s32 $0xFFFFC000  }
0x60: {  	_ =	swait.ge [sflag:s17], $0x4000  }
0x61: {  	[sflag:s17] =	ssyncset.done $0x0  }
0x62: {  	s25 =	simm.s32 $0x2300;
	[sflag:s17] =	ssyncadd.s32 $0xFFFFC000  }
0x63: {  	[tilespmem:s20], [sflag:$0x2] =	stream.indirect.gather.add.f32 [hbm:s3], $0x80, s25, s14, $0xb8;
	[tilespmem:$0x14000] =	vst v63  }
0x64: {  	s29 =	simm.s32 $0x2380  }
0x65: {  	[tilespmem:s22], [sflag:$0x2] =	stream.indirect.gather.add.f32 [hbm:s3], $0x80, s29, s14, $0xb8;
	[tilespmem:$0x14000] =	vst v63  }
0x66: {  	_ =	swait.ge [sflag:s26], $0x8000  }
0x67: {  	[sflag:s26] =	ssyncset.done $0x0  }
0x68: {  	s25 =	simm.s32 $0x400;
	[sflag:s26] =	ssyncadd.s32 $0xFFFF8000  }
0x69: {  	[tilespmem:s15], [sflag:$0x1] =	stream.indirect.gather [hbm4b:s3+s14], $0x80, s25, s14, $0xb8;
	[tilespmem:$0x14000] =	vst v63  }
0x6a: {  	s29 =	simm.s32 $0x480  }
0x6b: {  	[tilespmem:s16], [sflag:$0x1] =	stream.indirect.gather [hbm4b:s3+s14], $0x80, s29, s14, $0xb8;
	[tilespmem:$0x14000] =	vst v63  }
0x6c: {  	_ =	swait.ge [sflag:s23], $0x4000  }
0x6d: {  	[sflag:s23] =	ssyncset.done $0x0  }
0x6e: {  	[sflag:s23] =	ssyncadd.s32 $0xFFFFC000  }
0x6f: {  	_ =	swait.ge [sflag:s23], $0x4000  }
0x70: {  	s28 =	sadd.s32 $0x1000, s11;
	[sflag:s23] =	ssyncset.done $0x0  }
0x71: {  	s24 =	simm.s32 $0x800;
	s25 =	sadd.s32 $0x2000, s11;
	[sflag:s23] =	ssyncadd.s32 $0xFFFFC000  }
.LBB2_2:
0x72: {  	[hbm4b:s28+s2] =	stream.linear.scatter [tilespmem:s20], [sflag:$0x3], $0x8000, $0x38;
	[tilespmem:$0x14000] =	vst v63  }
0x73: {  	s28 =	smov.u32 s24  }
0x74: {  	p0 =	sne.s32 s24, $0x6800;
	s24 =	sadd.s32 $0x800, s24;
	_ =	swait.ge [sflag:s17], $0x4000  }
0x75: {  	[sflag:s17] =	ssyncset.done $0x0  }
0x76: {  	[sflag:s17] =	ssyncadd.s32 $0xFFFFC000  }
0x77: {  	_ =	swait.ge [sflag:s17], $0x4000  }
0x78: {  	s28 =	sshra.s32 s28, $0x2;
	[sflag:s17] =	ssyncset.done $0x0  }
0x79: {  	s29 =	sadd.s32 $0x2200, s28;
	[sflag:s17] =	ssyncadd.s32 $0xFFFFC000  }
0x7a: {  	[tilespmem:s15], [sflag:$0x2] =	stream.indirect.gather.add.f32 [hbm:s3], $0x80, s29, s14, $0xb8;
	[tilespmem:$0x14000] =	vst v63  }
0x7b: {  	s29 =	sadd.s32 $0x2280, s28  }
0x7c: {  	[tilespmem:s16], [sflag:$0x2] =	stream.indirect.gather.add.f32 [hbm:s3], $0x80, s29, s14, $0xb8;
	[tilespmem:$0x14000] =	vst v63  }
0x7d: {  	_ =	swait.ge [sflag:s26], $0x8000  }
0x7e: {  	[sflag:s26] =	ssyncset.done $0x0  }
0x7f: {  	s29 =	sadd.s32 $0x300, s28;
	[sflag:s26] =	ssyncadd.s32 $0xFFFF8000  }
0x80: {  	[tilespmem:s20], [sflag:$0x1] =	stream.indirect.gather [hbm4b:s3+s14], $0x80, s29, s14, $0xb8;
	[tilespmem:$0x14000] =	vst v63  }
0x81: {  	s29 =	sadd.s32 $0x380, s28  }
0x82: {  	[tilespmem:s22], [sflag:$0x1] =	stream.indirect.gather [hbm4b:s3+s14], $0x80, s29, s14, $0xb8;
	[tilespmem:$0x14000] =	vst v63  }
0x83: {  	_ =	swait.ge [sflag:s23], $0x4000  }
0x84: {  	[sflag:s23] =	ssyncset.done $0x0  }
0x85: {  	[sflag:s23] =	ssyncadd.s32 $0xFFFFC000  }
0x86: {  	_ =	swait.ge [sflag:s23], $0x4000  }
0x87: {  	[sflag:s23] =	ssyncset.done $0x0  }
0x88: {  	[sflag:s23] =	ssyncadd.s32 $0xFFFFC000  }
0x89: {  	[hbm4b:s25+s2] =	stream.linear.scatter [tilespmem:s15], [sflag:$0x3], $0x8000, $0x38;
	[tilespmem:$0x14000] =	vst v63  }
0x8a: {  	_ =	swait.ge [sflag:s17], $0x4000  }
0x8b: {  	[sflag:s17] =	ssyncset.done $0x0  }
0x8c: {  	[sflag:s17] =	ssyncadd.s32 $0xFFFFC000  }
0x8d: {  	_ =	swait.ge [sflag:s17], $0x4000  }
0x8e: {  	[sflag:s17] =	ssyncset.done $0x0  }
0x8f: {  	s29 =	sadd.s32 $0x2300, s28;
	[sflag:s17] =	ssyncadd.s32 $0xFFFFC000  }
0x90: {  	[tilespmem:s20], [sflag:$0x2] =	stream.indirect.gather.add.f32 [hbm:s3], $0x80, s29, s14, $0xb8;
	[tilespmem:$0x14000] =	vst v63  }
0x91: {  	s29 =	sadd.s32 $0x2380, s28  }
0x92: {  	[tilespmem:s22], [sflag:$0x2] =	stream.indirect.gather.add.f32 [hbm:s3], $0x80, s29, s14, $0xb8;
	[tilespmem:$0x14000] =	vst v63  }
0x93: {  	_ =	swait.ge [sflag:s26], $0x8000  }
0x94: {  	[sflag:s26] =	ssyncset.done $0x0  }
0x95: {  	s29 =	sadd.s32 $0x400, s28;
	[sflag:s26] =	ssyncadd.s32 $0xFFFF8000  }
0x96: {  	[tilespmem:s15], [sflag:$0x1] =	stream.indirect.gather [hbm4b:s3+s14], $0x80, s29, s14, $0xb8;
	[tilespmem:$0x14000] =	vst v63  }
0x97: {  	s28 =	sadd.s32 $0x480, s28  }
0x98: {  	[tilespmem:s16], [sflag:$0x1] =	stream.indirect.gather [hbm4b:s3+s14], $0x80, s28, s14, $0xb8;
	[tilespmem:$0x14000] =	vst v63  }
0x99: {  	_ =	swait.ge [sflag:s23], $0x4000  }
.Ltmp0:
0x9a: {  	[sflag:s23] =	ssyncset.done $0x0;
	(pc) =	sbr.rel @p0 .LBB2_2-.Ltmp0, $4  }
0x9b: {  	[sflag:s23] =	ssyncadd.s32 $0xFFFFC000  }
0x9c: {  	_ =	swait.ge [sflag:s23], $0x4000  }
0x9d: {  	[sflag:s23] =	ssyncset.done $0x0  }
0x9e: {  	s28 =	sadd.s32 $0x1000, s25;
	s25 =	sadd.s32 $0x2000, s25;
	[sflag:s23] =	ssyncadd.s32 $0xFFFFC000  }
0x9f: {  	[hbm4b:s28+s2] =	stream.linear.scatter [tilespmem:s20], [sflag:$0x3], $0x8000, $0x38;
	[tilespmem:$0x14000] =	vst v63  }
0xa0: {  	_ =	swait.ge [sflag:s17], $0x4000  }
0xa1: {  	[sflag:s17] =	ssyncset.done $0x0  }
0xa2: {  	[sflag:s17] =	ssyncadd.s32 $0xFFFFC000  }
0xa3: {  	_ =	swait.ge [sflag:s17], $0x4000  }
0xa4: {  	[sflag:s17] =	ssyncset.done $0x0  }
0xa5: {  	[sflag:s17] =	ssyncadd.s32 $0xFFFFC000  }
0xa6: {  	[tilespmem:s15], [sflag:$0x2] =	stream.indirect.gather.add.f32 [hbm:s3], $0x80, s30, s14, $0xb8;
	[tilespmem:$0x14000] =	vst v63  }
0xa7: {  	_ = 	snop  }
0xa8: {  	[tilespmem:s16], [sflag:$0x2] =	stream.indirect.gather.add.f32 [hbm:s3], $0x80, s31, s14, $0xb8;
	[tilespmem:$0x14000] =	vst v63  }
0xa9: {  	_ =	swait.ge [sflag:s26], $0x8000  }
0xaa: {  	[sflag:s26] =	ssyncset.done $0x0  }
0xab: {  	[sflag:s26] =	ssyncadd.s32 $0xFFFF8000  }
0xac: {  	[tilespmem:s20], [sflag:$0x1] =	stream.indirect.gather [hbm4b:s3+s14], $0x80, s0, s14, $0xb8;
	[tilespmem:$0x14000] =	vst v63  }
0xad: {  	_ = 	snop  }
0xae: {  	[tilespmem:s22], [sflag:$0x1] =	stream.indirect.gather [hbm4b:s3+s14], $0x80, s1, s14, $0xb8;
	[tilespmem:$0x14000] =	vst v63  }
0xaf: {  	_ =	swait.ge [sflag:s23], $0x4000  }
0xb0: {  	[sflag:s23] =	ssyncset.done $0x0  }
0xb1: {  	[sflag:s23] =	ssyncadd.s32 $0xFFFFC000  }
0xb2: {  	_ =	swait.ge [sflag:s23], $0x4000  }
0xb3: {  	[sflag:s23] =	ssyncset.done $0x0  }
0xb4: {  	[sflag:s23] =	ssyncadd.s32 $0xFFFFC000  }
0xb5: {  	[hbm4b:s9+s2] =	stream.linear.scatter [tilespmem:s15], [sflag:$0x3], $0x8000, $0x38;
	[tilespmem:$0x14000] =	vst v63  }
0xb6: {  	_ =	swait.ge [sflag:s17], $0x4000  }
0xb7: {  	[sflag:s17] =	ssyncset.done $0x0  }
0xb8: {  	[sflag:s17] =	ssyncadd.s32 $0xFFFFC000  }
0xb9: {  	_ =	swait.ge [sflag:s17], $0x4000  }
0xba: {  	[sflag:s17] =	ssyncset.done $0x0  }
0xbb: {  	[sflag:s17] =	ssyncadd.s32 $0xFFFFC000  }
0xbc: {  	[tilespmem:s20], [sflag:$0x2] =	stream.indirect.gather.add.f32 [hbm:s3], $0x80, s18, s14, $0xb8;
	[tilespmem:$0x14000] =	vst v63  }
0xbd: {  	_ = 	snop  }
0xbe: {  	[tilespmem:s22], [sflag:$0x2] =	stream.indirect.gather.add.f32 [hbm:s3], $0x80, s19, s14, $0xb8;
	[tilespmem:$0x14000] =	vst v63  }
0xbf: {  	_ =	swait.ge [sflag:s26], $0x8000  }
0xc0: {  	[sflag:s26] =	ssyncset.done $0x0  }
0xc1: {  	[sflag:s26] =	ssyncadd.s32 $0xFFFF8000  }
0xc2: {  	_ =	swait.ge [sflag:s23], $0x4000  }
0xc3: {  	[sflag:s23] =	ssyncset.done $0x0  }
0xc4: {  	[sflag:s23] =	ssyncadd.s32 $0xFFFFC000  }
0xc5: {  	s21 =	sadd.s32 $0x1, s21;
	_ =	swait.ge [sflag:s23], $0x4000  }
0xc6: {  	p0 =	sne.s32 s21, s7;
	[sflag:s23] =	ssyncset.done $0x0  }
.Ltmp1:
0xc7: {  	[sflag:s23] =	ssyncadd.s32 $0xFFFFC000;
	(pc) =	sbr.rel @p0 .LBB2_1-.Ltmp1, $4  }
0xc8: {  	[hbm4b:s10+s2] =	stream.linear.scatter [tilespmem:s20], [sflag:$0x3], $0x8000, $0x38;
	[tilespmem:$0x14000] =	vst v63  }
0xc9: {  	_ =	swait.ge [sflag:s26], $0x8000  }
0xca: {  	[sflag:s26] =	ssyncset.done $0x0  }
0xcb: {  	[sflag:s26] =	ssyncadd.s32 $0xFFFF8000  }
0xcc: {  	_ =	sfence.sel $0x180000  }
0xcd: {  	[bflag:$0x0] =	sbarrier.arrive $0xFFFF  }
0xce: {  	_ =	strace $0x9000004A  }
0xcf: {  	s0 =	stileid.u32;
	[bflag:$0x2] =	sbarrier.arrive $0xFFFF  }
0xd0: {  	p0 =	sne.s32 s0, $0x0;
	s0 =	rddreg [dreg:$0x2]  }
0xd1: {  	s0 =	sadd.s32 @!p0 $0x100000, s0  }
0xd2: {  	[sflag:s0] =	ssyncadd.tile.s32 @!p0 $0x1;
	_ =	shalt  }
.Lfunc_end2:
_tile_overlayer_lowered:
.L_overlay_start_2:
0xd3: {  	(tag) =	ssettag $0x2  }
0xd4: {  	s0 =	rddreg [dreg:$0x0];
	s2 =	stileid.u32  }
0xd5: {  	s1 =	rddreg [dreg:$0x1];
	p0 =	sne.s32 s2, $0x0  }
0xd6: {  	s3 =	rddreg [dreg:$0x2];
	[bflag:$0x3] =	sbarrier.arrive $0xFFFF;
	s2 =	simm.s32 @!p0 $0x1C04  }
0xd7: {  	[timem:s3], [sflag:s2] =	dma.local @!p0 [hbm:s0], s1  }
0xd8: {  	s0 =	simm.s32 @!p0 $0x4  }
0xd9: {  	_ =	swait.ge @!p0 [sflag:s0], s1  }
0xda: {  	s1 =	ssub.s32 @!p0 $0x0, s1;
	[sflag:s0] =	ssyncset.done @!p0 $0x0  }
0xdb: {  	[sflag:s0] =	ssyncadd.s32 @!p0 s1  }
0xdc: {  	[bflag:$0x3] =	sbarrier.arrive $0xFFFF  }
0xdd: {  	_ =	shalt  }

</sc_bundles>
